<compile_context>
chip_gen: v7x
topology: tpu7x:2x2x1
jax: 0.10.2.dev20260603
libtpu: 0.0.44.dev20260713+nightly
codegen_flags: <defaults>
</compile_context>

<pallas_src>
import functools

import jax
import jax.numpy as jnp
from jax import lax
from jax.experimental import pallas as pl
from jax.experimental.pallas import tpu as pltpu
from jax.experimental.pallas import tpu_sc as plsc

B, L, S = 8, 8, 2048
K, D = 4096, 1024
TOK = B * S

NC = 2
NS = 16
NW = NC * NS
LANES = 16

TOK_PER_W = TOK // NW
C = 4
CR = C * L
NCHUNK = TOK_PER_W // C
DCHUNKS = D // LANES


def _sc_gather_sum(tables, idx, wbc):
    mesh = plsc.VectorSubcoreMesh(core_axis_name="c", subcore_axis_name="s")

    @functools.partial(
        pl.kernel,
        mesh=mesh,
        out_type=jax.ShapeDtypeStruct((TOK, D), jnp.float32),
        scratch_types=[
            pltpu.VMEM((TOK_PER_W * L,), jnp.int32),
            pltpu.VMEM((2, CR, D), jnp.float32),
            pltpu.VMEM((2, C, D), jnp.float32),
            pltpu.VMEM((L, LANES), jnp.float32),
            pltpu.SemaphoreType.DMA,
            pltpu.SemaphoreType.DMA,
            pltpu.SemaphoreType.DMA,
            pltpu.SemaphoreType.DMA,
        ],
    )
    def k(tab_hbm, idx_hbm, wb_hbm, out_hbm, idx_v, rows_v, acc_v, wv,
          sem_g0, sem_g1, sem_s0, sem_s1):
        wid = lax.axis_index("s") * NC + lax.axis_index("c")
        base = wid * TOK_PER_W

        pltpu.sync_copy(wb_hbm, wv)
        pltpu.sync_copy(idx_hbm.at[pl.ds(base * L, TOK_PER_W * L)], idx_v)

        sem_g = (sem_g0, sem_g1)
        sem_s = (sem_s0, sem_s1)

        def gather(c, b):
            return pltpu.make_async_copy(
                tab_hbm.at[idx_v.at[pl.ds(c * CR, CR)]], rows_v.at[b], sem_g[b])

        def store(c, b):
            return pltpu.make_async_copy(
                acc_v.at[b], out_hbm.at[pl.ds(base + c * C, C)], sem_s[b])

        gather(0, 0).start()
        gather(1, 1).start()

        ws = [wv[i, :] for i in range(L)]

        def accumulate(b):
            def dbody(dd, carry):
                off = dd * LANES
                for j in range(C):
                    s = None
                    for i in range(L):
                        r = rows_v[b, j * L + i, pl.ds(off, LANES)]
                        t = r * ws[i]
                        s = t if s is None else s + t
                    acc_v[b, j, pl.ds(off, LANES)] = s
                return carry
            lax.fori_loop(0, DCHUNKS, dbody, 0)

        def outer(c2, carry):
            for b in range(2):
                c = 2 * c2 + b
                gather(c, b).wait()

                @pl.when(c >= 2)
                def _():
                    store(c - 2, b).wait()

                accumulate(b)

                @pl.when(c + 2 < NCHUNK)
                def _():
                    gather(c + 2, b).start()

                store(c, b).start()
            return carry

        lax.fori_loop(0, NCHUNK // 2, outer, 0)
        store(NCHUNK - 2, 0).wait()
        store(NCHUNK - 1, 1).wait()

    return k(tables, idx, wbc)


def _tc_ln_proj(total, W, gamma, beta, bias):
    BM = 512

    def body(x_ref, w_ref, g_ref, bt_ref, bias_ref, o_ref):
        x = x_ref[...]
        mu = jnp.mean(x, axis=1, keepdims=True)
        xc = x - mu
        var = jnp.mean(xc * xc, axis=1, keepdims=True)
        xn = xc * lax.rsqrt(var + 1e-5)
        xn = xn * g_ref[...] + bt_ref[...]
        o_ref[...] = lax.dot_general(
            xn, w_ref[...], (((1,), (1,)), ((), ())),
            preferred_element_type=jnp.float32) + bias_ref[...]

    return pl.pallas_call(
        body,
        grid=(TOK // BM,),
        in_specs=[
            pl.BlockSpec((BM, D), lambda i: (i, 0)),
            pl.BlockSpec((D, D), lambda i: (0, 0)),
            pl.BlockSpec((1, D), lambda i: (0, 0)),
            pl.BlockSpec((1, D), lambda i: (0, 0)),
            pl.BlockSpec((1, D), lambda i: (0, 0)),
        ],
        out_specs=pl.BlockSpec((BM, D), lambda i: (i, 0)),
        out_shape=jax.ShapeDtypeStruct((TOK, D), jnp.float32),
    )(total, W, gamma, beta, bias)


def kernel(audio_codes, emb_tables, layer_weights, ln_gamma, ln_beta, W, b):
    codes = audio_codes.astype(jnp.int32)
    offs = (jnp.arange(L, dtype=jnp.int32) * K)[None, :, None]
    idx = jnp.transpose(codes + offs, (0, 2, 1)).reshape(TOK * L)
    tables = emb_tables.reshape(L * K, D)
    wbc = jnp.broadcast_to(layer_weights[:, None], (L, LANES))

    total = _sc_gather_sum(tables, idx, wbc)
    out = _tc_ln_proj(total, W, ln_gamma.reshape(1, D), ln_beta.reshape(1, D),
                      b.reshape(1, D))
    return out.reshape(B, S, D)

# --- scband reference (transcript-rebuilt; emitter-appended) ---
"""Pipeline reference for scband-audio-depthwise-encoder-73589969650099 (READ-ONLY COPY).

The authoritative reference and input builder live on the scoring server;
editing this copy changes nothing except your own understanding.
"""

import jax, jax.numpy as jnp
import numpy as np

B, L, S = 8, 8, 2048
K, D = 4096, 1024

def _layer_norm(x, gamma, beta, eps=1e-5):
    mu = jnp.mean(x, axis=-1, keepdims=True)
    var = jnp.mean((x - mu) ** 2, axis=-1, keepdims=True)
    return (x - mu) / jnp.sqrt(var + eps) * gamma + beta

def setup_inputs(seed: int = 0) -> dict:
    key = jax.random.key(seed)
    k_codes, k_emb, k_w, k_b = jax.random.split(key, 4)
    audio_codes = jax.random.randint(k_codes, (B, L, S), 0, K, dtype=jnp.int64)
    emb_tables = jax.random.normal(k_emb, (L, K, D), dtype=jnp.float32)
    layer_weights = jnp.ones((L,), dtype=jnp.float32)
    ln_gamma = jnp.ones((D,), dtype=jnp.float32)
    ln_beta = jnp.zeros((D,), dtype=jnp.float32)
    W = jax.random.normal(k_w, (D, D), dtype=jnp.float32) * 0.02
    b = jnp.zeros((D,), dtype=jnp.float32)
    return {"audio_codes": audio_codes, "emb_tables": emb_tables, "layer_weights": layer_weights, "ln_gamma": ln_gamma, "ln_beta": ln_beta, "W": W, "b": b}

def reference(audio_codes, emb_tables, layer_weights, ln_gamma, ln_beta, W, b):
    batch_size, num_layers, seq_len = audio_codes.shape
    d = emb_tables.shape[-1]
    total = jnp.zeros((batch_size, seq_len, d), dtype=emb_tables.dtype)
    for i in range(num_layers):
        code_level = audio_codes[:, i, :]                       # [B, S]
        emb = jnp.take(emb_tables[i], code_level, axis=0)       # [B, S, D] gather
        total = total + emb * layer_weights[i]
    total = _layer_norm(total, ln_gamma, ln_beta)
    return total @ W.T + b

if __name__ == "__main__":
    import jax
    _d = setup_inputs()
    print(jax.jit(kernel)(*tuple(_d.values())))

</pallas_src>

<mosaic_0001>
#map = affine_map<(d0, d1) -> (0, 0)>
#map1 = affine_map<(d0, d1) -> (0)>
module attributes {stable_mosaic.version = 14 : i64} {
  func.func @k(%arg0: i32, %arg1: i32, %arg2: memref<32768x1024xf32, #tpu.memory_space<hbm>>, %arg3: memref<131072xi32, #tpu.memory_space<hbm>>, %arg4: memref<8x16xf32, #tpu.memory_space<hbm>>, %arg5: memref<16384x1024xf32, #tpu.memory_space<hbm>>, %arg6: memref<4096xi32, #tpu.memory_space<vmem>>, %arg7: memref<2x32x1024xf32, #tpu.memory_space<vmem>>, %arg8: memref<2x4x1024xf32, #tpu.memory_space<vmem>>, %arg9: memref<8x16xf32, #tpu.memory_space<vmem>>, %arg10: memref<!tpu.dma_semaphore, #tpu.memory_space<semaphore_mem>>, %arg11: memref<!tpu.dma_semaphore, #tpu.memory_space<semaphore_mem>>, %arg12: memref<!tpu.dma_semaphore, #tpu.memory_space<semaphore_mem>>, %arg13: memref<!tpu.dma_semaphore, #tpu.memory_space<semaphore_mem>>) attributes {dimension_semantics = [#tpu.dimension_semantics<core_parallel>, #tpu.dimension_semantics<subcore_parallel>], iteration_bounds = array<i64: 2, 16>, scalar_prefetch = 0 : i64, scratch_operands = 8 : i64, tpu.core_type = #tpu.core_type<sc_vector_subcore>, window_params = [{transform_indices = #map}, {transform_indices = #map1}, {transform_indices = #map}, {transform_indices = #map}]} {
    %mul3A = arith.constant 2 : i32
    %mul3A_0 = arith.muli %arg1, %mul3A : i32
    %add3A = arith.addi %mul3A_0, %arg0 : i32
    %mul3A_1 = arith.constant 512 : i32
    %mul3A_2 = arith.muli %add3A, %mul3A_1 : i32
    "tpu.region"() ({
      %run_scoped3A = tpu.sem_alloc : memref<!tpu.dma_semaphore, #tpu.memory_space<semaphore_mem>>
      tpu.enqueue_dma source(%arg4 : memref<8x16xf32, #tpu.memory_space<hbm>>) target(%arg9 : memref<8x16xf32, #tpu.memory_space<vmem>>) target_semaphore(%run_scoped3A : memref<!tpu.dma_semaphore, #tpu.memory_space<semaphore_mem>>)
      tpu.wait_dma2 semaphore(%run_scoped3A : memref<!tpu.dma_semaphore, #tpu.memory_space<semaphore_mem>>) src(%arg4 : memref<8x16xf32, #tpu.memory_space<hbm>>) dst(%arg9 : memref<8x16xf32, #tpu.memory_space<vmem>>)
      tpu.yield
    }) : () -> ()
    %mul3A_3 = arith.constant 8 : i32
    %mul3A_4 = arith.muli %mul3A_2, %mul3A_3 : i32
    "tpu.region"() ({
      %run_scoped3A = tpu.sem_alloc : memref<!tpu.dma_semaphore, #tpu.memory_space<semaphore_mem>>
      %dma_start3A_97 = tpu.memref_slice %arg3[%mul3A_4] : memref<131072xi32, #tpu.memory_space<hbm>> -> memref<4096xi32, #tpu.memory_space<hbm>>
      %dma_start3A_98 = tpu.memref_slice %arg3[%mul3A_4] : memref<131072xi32, #tpu.memory_space<hbm>> -> memref<4096xi32, #tpu.memory_space<hbm>>
      tpu.enqueue_dma source(%dma_start3A_98 : memref<4096xi32, #tpu.memory_space<hbm>>) target(%arg6 : memref<4096xi32, #tpu.memory_space<vmem>>) target_semaphore(%run_scoped3A : memref<!tpu.dma_semaphore, #tpu.memory_space<semaphore_mem>>)
      %dma_wait3A_99 = tpu.memref_slice %arg3[%mul3A_4] : memref<131072xi32, #tpu.memory_space<hbm>> -> memref<4096xi32, #tpu.memory_space<hbm>>
      %dma_wait3A_100 = tpu.memref_slice %arg3[%mul3A_4] : memref<131072xi32, #tpu.memory_space<hbm>> -> memref<4096xi32, #tpu.memory_space<hbm>>
      tpu.wait_dma2 semaphore(%run_scoped3A : memref<!tpu.dma_semaphore, #tpu.memory_space<semaphore_mem>>) src(%dma_wait3A_100 : memref<4096xi32, #tpu.memory_space<hbm>>) dst(%arg6 : memref<4096xi32, #tpu.memory_space<vmem>>)
      tpu.yield
    }) : () -> ()
    %dma_start3A = arith.constant 0 : i32
    %dma_start3A_5 = arith.constant 0 : i32
    %dma_start3A_6 = arith.constant 0 : i32
    %dma_start3A_7 = tpu.memref_slice %arg7[%dma_start3A, %dma_start3A_5, %dma_start3A_6] : memref<2x32x1024xf32, #tpu.memory_space<vmem>> -> memref<1x32x1024xf32, #tpu.memory_space<vmem>>
    %dma_start3A_8 = tpu.memref_squeeze %dma_start3A_7 : memref<1x32x1024xf32, #tpu.memory_space<vmem>> -> memref<32x1024xf32, #tpu.memory_space<vmem>>
    %dma_start3A_9 = arith.constant 0 : i32
    %dma_start3A_10 = tpu.memref_slice %arg6[%dma_start3A_9] : memref<4096xi32, #tpu.memory_space<vmem>> -> memref<32xi32, #tpu.memory_space<vmem>>
    %dma_start3A_11 = arith.constant 0 : i32
    %dma_start3A_12 = arith.constant 0 : i32
    %dma_start3A_13 = tpu.memref_slice %arg2[%dma_start3A_11, %dma_start3A_12] : memref<32768x1024xf32, #tpu.memory_space<hbm>> -> memref<32768x1024xf32, #tpu.memory_space<hbm>>
    tpu.enqueue_indirect_dma source(%dma_start3A_13 : memref<32768x1024xf32, #tpu.memory_space<hbm>>) target(%dma_start3A_8 : memref<32x1024xf32, #tpu.memory_space<vmem>>) offsets(%dma_start3A_10 : memref<32xi32, #tpu.memory_space<vmem>>) semaphore(%arg10 : memref<!tpu.dma_semaphore, #tpu.memory_space<semaphore_mem>>)
    %dma_start3A_14 = arith.constant 1 : i32
    %dma_start3A_15 = arith.constant 0 : i32
    %dma_start3A_16 = arith.constant 0 : i32
    %dma_start3A_17 = tpu.memref_slice %arg7[%dma_start3A_14, %dma_start3A_15, %dma_start3A_16] : memref<2x32x1024xf32, #tpu.memory_space<vmem>> -> memref<1x32x1024xf32, #tpu.memory_space<vmem>>
    %dma_start3A_18 = tpu.memref_squeeze %dma_start3A_17 : memref<1x32x1024xf32, #tpu.memory_space<vmem>> -> memref<32x1024xf32, #tpu.memory_space<vmem>>
    %dma_start3A_19 = arith.constant 32 : i32
    %dma_start3A_20 = tpu.memref_slice %arg6[%dma_start3A_19] : memref<4096xi32, #tpu.memory_space<vmem>> -> memref<32xi32, #tpu.memory_space<vmem>>
    %dma_start3A_21 = arith.constant 0 : i32
    %dma_start3A_22 = arith.constant 0 : i32
    %dma_start3A_23 = tpu.memref_slice %arg2[%dma_start3A_21, %dma_start3A_22] : memref<32768x1024xf32, #tpu.memory_space<hbm>> -> memref<32768x1024xf32, #tpu.memory_space<hbm>>
    tpu.enqueue_indirect_dma source(%dma_start3A_23 : memref<32768x1024xf32, #tpu.memory_space<hbm>>) target(%dma_start3A_18 : memref<32x1024xf32, #tpu.memory_space<vmem>>) offsets(%dma_start3A_20 : memref<32xi32, #tpu.memory_space<vmem>>) semaphore(%arg11 : memref<!tpu.dma_semaphore, #tpu.memory_space<semaphore_mem>>)
    %get3A = arith.constant 0 : i32
    %get3A_24 = arith.index_cast %get3A : i32 to index
    %get3A_25 = arith.constant 0 : index
    %get3A_26 = tpu.vector_load %arg9[%get3A_24, %get3A_25] {strides = array<i32>} : memref<8x16xf32, #tpu.memory_space<vmem>>, vector<1x16xf32>,
    %get3A_27 = vector.shape_cast %get3A_26 : vector<1x16xf32> to vector<16xf32>
    %get3A_28 = arith.constant 1 : i32
    %get3A_29 = arith.index_cast %get3A_28 : i32 to index
    %get3A_30 = arith.constant 0 : index
    %get3A_31 = tpu.vector_load %arg9[%get3A_29, %get3A_30] {strides = array<i32>} : memref<8x16xf32, #tpu.memory_space<vmem>>, vector<1x16xf32>,
    %get3A_32 = vector.shape_cast %get3A_31 : vector<1x16xf32> to vector<16xf32>
    %get3A_33 = arith.constant 2 : i32
    %get3A_34 = arith.index_cast %get3A_33 : i32 to index
    %get3A_35 = arith.constant 0 : index
    %get3A_36 = tpu.vector_load %arg9[%get3A_34, %get3A_35] {strides = array<i32>} : memref<8x16xf32, #tpu.memory_space<vmem>>, vector<1x16xf32>,
    %get3A_37 = vector.shape_cast %get3A_36 : vector<1x16xf32> to vector<16xf32>
    %get3A_38 = arith.constant 3 : i32
    %get3A_39 = arith.index_cast %get3A_38 : i32 to index
    %get3A_40 = arith.constant 0 : index
    %get3A_41 = tpu.vector_load %arg9[%get3A_39, %get3A_40] {strides = array<i32>} : memref<8x16xf32, #tpu.memory_space<vmem>>, vector<1x16xf32>,
    %get3A_42 = vector.shape_cast %get3A_41 : vector<1x16xf32> to vector<16xf32>
    %get3A_43 = arith.constant 4 : i32
    %get3A_44 = arith.index_cast %get3A_43 : i32 to index
    %get3A_45 = arith.constant 0 : index
    %get3A_46 = tpu.vector_load %arg9[%get3A_44, %get3A_45] {strides = array<i32>} : memref<8x16xf32, #tpu.memory_space<vmem>>, vector<1x16xf32>,
    %get3A_47 = vector.shape_cast %get3A_46 : vector<1x16xf32> to vector<16xf32>
    %get3A_48 = arith.constant 5 : i32
    %get3A_49 = arith.index_cast %get3A_48 : i32 to index
    %get3A_50 = arith.constant 0 : index
    %get3A_51 = tpu.vector_load %arg9[%get3A_49, %get3A_50] {strides = array<i32>} : memref<8x16xf32, #tpu.memory_space<vmem>>, vector<1x16xf32>,
    %get3A_52 = vector.shape_cast %get3A_51 : vector<1x16xf32> to vector<16xf32>
    %get3A_53 = arith.constant 6 : i32
    %get3A_54 = arith.index_cast %get3A_53 : i32 to index
    %get3A_55 = arith.constant 0 : index
    %get3A_56 = tpu.vector_load %arg9[%get3A_54, %get3A_55] {strides = array<i32>} : memref<8x16xf32, #tpu.memory_space<vmem>>, vector<1x16xf32>,
    %get3A_57 = vector.shape_cast %get3A_56 : vector<1x16xf32> to vector<16xf32>
    %get3A_58 = arith.constant 7 : i32
    %get3A_59 = arith.index_cast %get3A_58 : i32 to index
    %get3A_60 = arith.constant 0 : index
    %get3A_61 = tpu.vector_load %arg9[%get3A_59, %get3A_60] {strides = array<i32>} : memref<8x16xf32, #tpu.memory_space<vmem>>, vector<1x16xf32>,
    %get3A_62 = vector.shape_cast %get3A_61 : vector<1x16xf32> to vector<16xf32>
    %scan3A = arith.constant 0 : i32
    %scan3A_63 = arith.constant 0 : i32
    %scan3A_64 = arith.constant 64 : i32
    %scan3A_65 = arith.addi %scan3A_63, %scan3A_64 : i32
    %scan3A_66 = arith.constant 1 : i32
    scf.for %scan3A_97 = %scan3A_63 to %scan3A_65 step %scan3A_66  : i32 {
      %mul3A_98 = arith.constant 2 : i32
      %mul3A_99 = arith.muli %mul3A_98, %scan3A_97 : i32
      %add3A_100 = arith.constant 0 : i32
      %add3A_101 = arith.addi %mul3A_99, %add3A_100 : i32
      %mul3A_102 = arith.constant 32 : i32
      %mul3A_103 = arith.muli %add3A_101, %mul3A_102 : i32
      %dma_wait3A_104 = arith.constant 0 : i32
      %dma_wait3A_105 = arith.constant 0 : i32
      %dma_wait3A_106 = arith.constant 0 : i32
      %dma_wait3A_107 = tpu.memref_slice %arg7[%dma_wait3A_104, %dma_wait3A_105, %dma_wait3A_106] : memref<2x32x1024xf32, #tpu.memory_space<vmem>> -> memref<1x32x1024xf32, #tpu.memory_space<vmem>>
      %dma_wait3A_108 = tpu.memref_squeeze %dma_wait3A_107 : memref<1x32x1024xf32, #tpu.memory_space<vmem>> -> memref<32x1024xf32, #tpu.memory_space<vmem>>
      %dma_wait3A_109 = tpu.memref_slice %arg6[%mul3A_103] : memref<4096xi32, #tpu.memory_space<vmem>> -> memref<32xi32, #tpu.memory_space<vmem>>
      %dma_wait3A_110 = arith.constant 0 : i32
      %dma_wait3A_111 = arith.constant 0 : i32
      %dma_wait3A_112 = tpu.memref_slice %arg2[%dma_wait3A_110, %dma_wait3A_111] : memref<32768x1024xf32, #tpu.memory_space<hbm>> -> memref<32768x1024xf32, #tpu.memory_space<hbm>>
      tpu.wait_indirect_dma semaphore(%arg10 : memref<!tpu.dma_semaphore, #tpu.memory_space<semaphore_mem>>) src(%dma_wait3A_112 : memref<32768x1024xf32, #tpu.memory_space<hbm>>) dst(%dma_wait3A_108 : memref<32x1024xf32, #tpu.memory_space<vmem>>)
      %ge3A = arith.constant 2 : i32
      %ge3A_113 = arith.cmpi sge, %add3A_101, %ge3A : i32
      %convert_element_type3A = arith.extui %ge3A_113 : i1 to i32
      %cond3A = arith.constant 0 : i32
      %cond3A_114 = arith.cmpi ne, %convert_element_type3A, %cond3A : i32
      scf.if %cond3A_114 {
        %sub3A = arith.constant 2 : i32
        %sub3A_192 = arith.subi %add3A_101, %sub3A : i32
        %mul3A_193 = arith.constant 4 : i32
        %mul3A_194 = arith.muli %sub3A_192, %mul3A_193 : i32
        %add3A_195 = arith.addi %mul3A_2, %mul3A_194 : i32
        %dma_wait3A_196 = arith.constant 0 : i32
        %dma_wait3A_197 = arith.constant 0 : i32
        %dma_wait3A_198 = arith.constant 0 : i32
        %dma_wait3A_199 = tpu.memref_slice %arg8[%dma_wait3A_196, %dma_wait3A_197, %dma_wait3A_198] : memref<2x4x1024xf32, #tpu.memory_space<vmem>> -> memref<1x4x1024xf32, #tpu.memory_space<vmem>>
        %dma_wait3A_200 = tpu.memref_squeeze %dma_wait3A_199 : memref<1x4x1024xf32, #tpu.memory_space<vmem>> -> memref<4x1024xf32, #tpu.memory_space<vmem>>
        %dma_wait3A_201 = arith.constant 0 : i32
        %dma_wait3A_202 = tpu.memref_slice %arg5[%add3A_195, %dma_wait3A_201] : memref<16384x1024xf32, #tpu.memory_space<hbm>> -> memref<4x1024xf32, #tpu.memory_space<hbm>>
        %dma_wait3A_203 = arith.constant 0 : i32
        %dma_wait3A_204 = tpu.memref_slice %arg5[%add3A_195, %dma_wait3A_203] : memref<16384x1024xf32, #tpu.memory_space<hbm>> -> memref<4x1024xf32, #tpu.memory_space<hbm>>
        %dma_wait3A_205 = arith.constant 0 : i32
        %dma_wait3A_206 = arith.constant 0 : i32
        %dma_wait3A_207 = tpu.memref_slice %arg8[%dma_wait3A_196, %dma_wait3A_205, %dma_wait3A_206] : memref<2x4x1024xf32, #tpu.memory_space<vmem>> -> memref<1x4x1024xf32, #tpu.memory_space<vmem>>
        %dma_wait3A_208 = tpu.memref_squeeze %dma_wait3A_207 : memref<1x4x1024xf32, #tpu.memory_space<vmem>> -> memref<4x1024xf32, #tpu.memory_space<vmem>>
        tpu.wait_dma2 semaphore(%arg12 : memref<!tpu.dma_semaphore, #tpu.memory_space<semaphore_mem>>) src(%dma_wait3A_208 : memref<4x1024xf32, #tpu.memory_space<vmem>>) dst(%dma_wait3A_204 : memref<4x1024xf32, #tpu.memory_space<hbm>>)
      } else {
      }
      %scan3A_115 = arith.constant 0 : i32
      %scan3A_116 = arith.constant 0 : i32
      %scan3A_117 = arith.constant 64 : i32
      %scan3A_118 = arith.addi %scan3A_116, %scan3A_117 : i32
      %scan3A_119 = arith.constant 1 : i32
      scf.for %scan3A_192 = %scan3A_116 to %scan3A_118 step %scan3A_119  : i32 {
        %mul3A_193 = arith.constant 16 : i32
        %mul3A_194 = arith.muli %scan3A_192, %mul3A_193 : i32
        %get3A_195 = arith.constant 0 : i32
        %get3A_196 = arith.constant 0 : i32
        %get3A_197 = arith.index_cast %get3A_195 : i32 to index
        %get3A_198 = arith.index_cast %get3A_196 : i32 to index
        %get3A_199 = arith.index_cast %mul3A_194 : i32 to index
        %get3A_200 = tpu.vector_load %arg7[%get3A_197, %get3A_198, %get3A_199] {strides = array<i32>} : memref<2x32x1024xf32, #tpu.memory_space<vmem>>, vector<1x1x16xf32>,
        %get3A_201 = vector.shape_cast %get3A_200 : vector<1x1x16xf32> to vector<16xf32>
        %mul3A_202 = arith.mulf %get3A_201, %get3A_27 : vector<16xf32>
        %get3A_203 = arith.constant 0 : i32
        %get3A_204 = arith.constant 1 : i32
        %get3A_205 = arith.index_cast %get3A_203 : i32 to index
        %get3A_206 = arith.index_cast %get3A_204 : i32 to index
        %get3A_207 = arith.index_cast %mul3A_194 : i32 to index
        %get3A_208 = tpu.vector_load %arg7[%get3A_205, %get3A_206, %get3A_207] {strides = array<i32>} : memref<2x32x1024xf32, #tpu.memory_space<vmem>>, vector<1x1x16xf32>,
        %get3A_209 = vector.shape_cast %get3A_208 : vector<1x1x16xf32> to vector<16xf32>
        %mul3A_210 = arith.mulf %get3A_209, %get3A_32 : vector<16xf32>
        %add3A_211 = arith.addf %mul3A_202, %mul3A_210 : vector<16xf32>
        %get3A_212 = arith.constant 0 : i32
        %get3A_213 = arith.constant 2 : i32
        %get3A_214 = arith.index_cast %get3A_212 : i32 to index
        %get3A_215 = arith.index_cast %get3A_213 : i32 to index
        %get3A_216 = arith.index_cast %mul3A_194 : i32 to index
        %get3A_217 = tpu.vector_load %arg7[%get3A_214, %get3A_215, %get3A_216] {strides = array<i32>} : memref<2x32x1024xf32, #tpu.memory_space<vmem>>, vector<1x1x16xf32>,
        %get3A_218 = vector.shape_cast %get3A_217 : vector<1x1x16xf32> to vector<16xf32>
        %mul3A_219 = arith.mulf %get3A_218, %get3A_37 : vector<16xf32>
        %add3A_220 = arith.addf %add3A_211, %mul3A_219 : vector<16xf32>
        %get3A_221 = arith.constant 0 : i32
        %get3A_222 = arith.constant 3 : i32
        %get3A_223 = arith.index_cast %get3A_221 : i32 to index
        %get3A_224 = arith.index_cast %get3A_222 : i32 to index
        %get3A_225 = arith.index_cast %mul3A_194 : i32 to index
        %get3A_226 = tpu.vector_load %arg7[%get3A_223, %get3A_224, %get3A_225] {strides = array<i32>} : memref<2x32x1024xf32, #tpu.memory_space<vmem>>, vector<1x1x16xf32>,
        %get3A_227 = vector.shape_cast %get3A_226 : vector<1x1x16xf32> to vector<16xf32>
        %mul3A_228 = arith.mulf %get3A_227, %get3A_42 : vector<16xf32>
        %add3A_229 = arith.addf %add3A_220, %mul3A_228 : vector<16xf32>
        %get3A_230 = arith.constant 0 : i32
        %get3A_231 = arith.constant 4 : i32
        %get3A_232 = arith.index_cast %get3A_230 : i32 to index
        %get3A_233 = arith.index_cast %get3A_231 : i32 to index
        %get3A_234 = arith.index_cast %mul3A_194 : i32 to index
        %get3A_235 = tpu.vector_load %arg7[%get3A_232, %get3A_233, %get3A_234] {strides = array<i32>} : memref<2x32x1024xf32, #tpu.memory_space<vmem>>, vector<1x1x16xf32>,
        %get3A_236 = vector.shape_cast %get3A_235 : vector<1x1x16xf32> to vector<16xf32>
        %mul3A_237 = arith.mulf %get3A_236, %get3A_47 : vector<16xf32>
        %add3A_238 = arith.addf %add3A_229, %mul3A_237 : vector<16xf32>
        %get3A_239 = arith.constant 0 : i32
        %get3A_240 = arith.constant 5 : i32
        %get3A_241 = arith.index_cast %get3A_239 : i32 to index
        %get3A_242 = arith.index_cast %get3A_240 : i32 to index
        %get3A_243 = arith.index_cast %mul3A_194 : i32 to index
        %get3A_244 = tpu.vector_load %arg7[%get3A_241, %get3A_242, %get3A_243] {strides = array<i32>} : memref<2x32x1024xf32, #tpu.memory_space<vmem>>, vector<1x1x16xf32>,
        %get3A_245 = vector.shape_cast %get3A_244 : vector<1x1x16xf32> to vector<16xf32>
        %mul3A_246 = arith.mulf %get3A_245, %get3A_52 : vector<16xf32>
        %add3A_247 = arith.addf %add3A_238, %mul3A_246 : vector<16xf32>
        %get3A_248 = arith.constant 0 : i32
        %get3A_249 = arith.constant 6 : i32
        %get3A_250 = arith.index_cast %get3A_248 : i32 to index
        %get3A_251 = arith.index_cast %get3A_249 : i32 to index
        %get3A_252 = arith.index_cast %mul3A_194 : i32 to index
        %get3A_253 = tpu.vector_load %arg7[%get3A_250, %get3A_251, %get3A_252] {strides = array<i32>} : memref<2x32x1024xf32, #tpu.memory_space<vmem>>, vector<1x1x16xf32>,
        %get3A_254 = vector.shape_cast %get3A_253 : vector<1x1x16xf32> to vector<16xf32>
        %mul3A_255 = arith.mulf %get3A_254, %get3A_57 : vector<16xf32>
        %add3A_256 = arith.addf %add3A_247, %mul3A_255 : vector<16xf32>
        %get3A_257 = arith.constant 0 : i32
        %get3A_258 = arith.constant 7 : i32
        %get3A_259 = arith.index_cast %get3A_257 : i32 to index
        %get3A_260 = arith.index_cast %get3A_258 : i32 to index
        %get3A_261 = arith.index_cast %mul3A_194 : i32 to index
        %get3A_262 = tpu.vector_load %arg7[%get3A_259, %get3A_260, %get3A_261] {strides = array<i32>} : memref<2x32x1024xf32, #tpu.memory_space<vmem>>, vector<1x1x16xf32>,
        %get3A_263 = vector.shape_cast %get3A_262 : vector<1x1x16xf32> to vector<16xf32>
        %mul3A_264 = arith.mulf %get3A_263, %get3A_62 : vector<16xf32>
        %add3A_265 = arith.addf %add3A_256, %mul3A_264 : vector<16xf32>
        %swap3A = arith.constant 0 : i32
        %swap3A_266 = arith.constant 0 : i32
        %swap3A_267 = arith.index_cast %swap3A : i32 to index
        %swap3A_268 = arith.index_cast %swap3A_266 : i32 to index
        %swap3A_269 = arith.index_cast %mul3A_194 : i32 to index
        %swap3A_270 = tpu.vector_load %arg8[%swap3A_267, %swap3A_268, %swap3A_269] {strides = array<i32>} : memref<2x4x1024xf32, #tpu.memory_space<vmem>>, vector<1x1x16xf32>,
        %swap3A_271 = vector.shape_cast %swap3A_270 : vector<1x1x16xf32> to vector<16xf32>
        %swap3A_272 = vector.shape_cast %add3A_265 : vector<16xf32> to vector<1x1x16xf32>
        tpu.vector_store %arg8[%swap3A_267, %swap3A_268, %swap3A_269], %swap3A_272 {strides = array<i32>} : memref<2x4x1024xf32, #tpu.memory_space<vmem>>, vector<1x1x16xf32>,
        %get3A_273 = arith.constant 0 : i32
        %get3A_274 = arith.constant 8 : i32
        %get3A_275 = arith.index_cast %get3A_273 : i32 to index
        %get3A_276 = arith.index_cast %get3A_274 : i32 to index
        %get3A_277 = arith.index_cast %mul3A_194 : i32 to index
        %get3A_278 = tpu.vector_load %arg7[%get3A_275, %get3A_276, %get3A_277] {strides = array<i32>} : memref<2x32x1024xf32, #tpu.memory_space<vmem>>, vector<1x1x16xf32>,
        %get3A_279 = vector.shape_cast %get3A_278 : vector<1x1x16xf32> to vector<16xf32>
        %mul3A_280 = arith.mulf %get3A_279, %get3A_27 : vector<16xf32>
        %get3A_281 = arith.constant 0 : i32
        %get3A_282 = arith.constant 9 : i32
        %get3A_283 = arith.index_cast %get3A_281 : i32 to index
        %get3A_284 = arith.index_cast %get3A_282 : i32 to index
        %get3A_285 = arith.index_cast %mul3A_194 : i32 to index
        %get3A_286 = tpu.vector_load %arg7[%get3A_283, %get3A_284, %get3A_285] {strides = array<i32>} : memref<2x32x1024xf32, #tpu.memory_space<vmem>>, vector<1x1x16xf32>,
        %get3A_287 = vector.shape_cast %get3A_286 : vector<1x1x16xf32> to vector<16xf32>
        %mul3A_288 = arith.mulf %get3A_287, %get3A_32 : vector<16xf32>
        %add3A_289 = arith.addf %mul3A_280, %mul3A_288 : vector<16xf32>
        %get3A_290 = arith.constant 0 : i32
        %get3A_291 = arith.constant 10 : i32
        %get3A_292 = arith.index_cast %get3A_290 : i32 to index
        %get3A_293 = arith.index_cast %get3A_291 : i32 to index
        %get3A_294 = arith.index_cast %mul3A_194 : i32 to index
        %get3A_295 = tpu.vector_load %arg7[%get3A_292, %get3A_293, %get3A_294] {strides = array<i32>} : memref<2x32x1024xf32, #tpu.memory_space<vmem>>, vector<1x1x16xf32>,
        %get3A_296 = vector.shape_cast %get3A_295 : vector<1x1x16xf32> to vector<16xf32>
        %mul3A_297 = arith.mulf %get3A_296, %get3A_37 : vector<16xf32>
        %add3A_298 = arith.addf %add3A_289, %mul3A_297 : vector<16xf32>
        %get3A_299 = arith.constant 0 : i32
        %get3A_300 = arith.constant 11 : i32
        %get3A_301 = arith.index_cast %get3A_299 : i32 to index
        %get3A_302 = arith.index_cast %get3A_300 : i32 to index
        %get3A_303 = arith.index_cast %mul3A_194 : i32 to index
        %get3A_304 = tpu.vector_load %arg7[%get3A_301, %get3A_302, %get3A_303] {strides = array<i32>} : memref<2x32x1024xf32, #tpu.memory_space<vmem>>, vector<1x1x16xf32>,
        %get3A_305 = vector.shape_cast %get3A_304 : vector<1x1x16xf32> to vector<16xf32>
        %mul3A_306 = arith.mulf %get3A_305, %get3A_42 : vector<16xf32>
        %add3A_307 = arith.addf %add3A_298, %mul3A_306 : vector<16xf32>
        %get3A_308 = arith.constant 0 : i32
        %get3A_309 = arith.constant 12 : i32
        %get3A_310 = arith.index_cast %get3A_308 : i32 to index
        %get3A_311 = arith.index_cast %get3A_309 : i32 to index
        %get3A_312 = arith.index_cast %mul3A_194 : i32 to index
        %get3A_313 = tpu.vector_load %arg7[%get3A_310, %get3A_311, %get3A_312] {strides = array<i32>} : memref<2x32x1024xf32, #tpu.memory_space<vmem>>, vector<1x1x16xf32>,
        %get3A_314 = vector.shape_cast %get3A_313 : vector<1x1x16xf32> to vector<16xf32>
        %mul3A_315 = arith.mulf %get3A_314, %get3A_47 : vector<16xf32>
        %add3A_316 = arith.addf %add3A_307, %mul3A_315 : vector<16xf32>
        %get3A_317 = arith.constant 0 : i32
        %get3A_318 = arith.constant 13 : i32
        %get3A_319 = arith.index_cast %get3A_317 : i32 to index
        %get3A_320 = arith.index_cast %get3A_318 : i32 to index
        %get3A_321 = arith.index_cast %mul3A_194 : i32 to index
        %get3A_322 = tpu.vector_load %arg7[%get3A_319, %get3A_320, %get3A_321] {strides = array<i32>} : memref<2x32x1024xf32, #tpu.memory_space<vmem>>, vector<1x1x16xf32>,
        %get3A_323 = vector.shape_cast %get3A_322 : vector<1x1x16xf32> to vector<16xf32>
        %mul3A_324 = arith.mulf %get3A_323, %get3A_52 : vector<16xf32>
        %add3A_325 = arith.addf %add3A_316, %mul3A_324 : vector<16xf32>
        %get3A_326 = arith.constant 0 : i32
        %get3A_327 = arith.constant 14 : i32
        %get3A_328 = arith.index_cast %get3A_326 : i32 to index
        %get3A_329 = arith.index_cast %get3A_327 : i32 to index
        %get3A_330 = arith.index_cast %mul3A_194 : i32 to index
        %get3A_331 = tpu.vector_load %arg7[%get3A_328, %get3A_329, %get3A_330] {strides = array<i32>} : memref<2x32x1024xf32, #tpu.memory_space<vmem>>, vector<1x1x16xf32>,
        %get3A_332 = vector.shape_cast %get3A_331 : vector<1x1x16xf32> to vector<16xf32>
        %mul3A_333 = arith.mulf %get3A_332, %get3A_57 : vector<16xf32>
        %add3A_334 = arith.addf %add3A_325, %mul3A_333 : vector<16xf32>
        %get3A_335 = arith.constant 0 : i32
        %get3A_336 = arith.constant 15 : i32
        %get3A_337 = arith.index_cast %get3A_335 : i32 to index
        %get3A_338 = arith.index_cast %get3A_336 : i32 to index
        %get3A_339 = arith.index_cast %mul3A_194 : i32 to index
        %get3A_340 = tpu.vector_load %arg7[%get3A_337, %get3A_338, %get3A_339] {strides = array<i32>} : memref<2x32x1024xf32, #tpu.memory_space<vmem>>, vector<1x1x16xf32>,
        %get3A_341 = vector.shape_cast %get3A_340 : vector<1x1x16xf32> to vector<16xf32>
        %mul3A_342 = arith.mulf %get3A_341, %get3A_62 : vector<16xf32>
        %add3A_343 = arith.addf %add3A_334, %mul3A_342 : vector<16xf32>
        %swap3A_344 = arith.constant 0 : i32
        %swap3A_345 = arith.constant 1 : i32
        %swap3A_346 = arith.index_cast %swap3A_344 : i32 to index
        %swap3A_347 = arith.index_cast %swap3A_345 : i32 to index
        %swap3A_348 = arith.index_cast %mul3A_194 : i32 to index
        %swap3A_349 = tpu.vector_load %arg8[%swap3A_346, %swap3A_347, %swap3A_348] {strides = array<i32>} : memref<2x4x1024xf32, #tpu.memory_space<vmem>>, vector<1x1x16xf32>,
        %swap3A_350 = vector.shape_cast %swap3A_349 : vector<1x1x16xf32> to vector<16xf32>
        %swap3A_351 = vector.shape_cast %add3A_343 : vector<16xf32> to vector<1x1x16xf32>
        tpu.vector_store %arg8[%swap3A_346, %swap3A_347, %swap3A_348], %swap3A_351 {strides = array<i32>} : memref<2x4x1024xf32, #tpu.memory_space<vmem>>, vector<1x1x16xf32>,
        %get3A_352 = arith.constant 0 : i32
        %get3A_353 = arith.constant 16 : i32
        %get3A_354 = arith.index_cast %get3A_352 : i32 to index
        %get3A_355 = arith.index_cast %get3A_353 : i32 to index
        %get3A_356 = arith.index_cast %mul3A_194 : i32 to index
        %get3A_357 = tpu.vector_load %arg7[%get3A_354, %get3A_355, %get3A_356] {strides = array<i32>} : memref<2x32x1024xf32, #tpu.memory_space<vmem>>, vector<1x1x16xf32>,
        %get3A_358 = vector.shape_cast %get3A_357 : vector<1x1x16xf32> to vector<16xf32>
        %mul3A_359 = arith.mulf %get3A_358, %get3A_27 : vector<16xf32>
        %get3A_360 = arith.constant 0 : i32
        %get3A_361 = arith.constant 17 : i32
        %get3A_362 = arith.index_cast %get3A_360 : i32 to index
        %get3A_363 = arith.index_cast %get3A_361 : i32 to index
        %get3A_364 = arith.index_cast %mul3A_194 : i32 to index
        %get3A_365 = tpu.vector_load %arg7[%get3A_362, %get3A_363, %get3A_364] {strides = array<i32>} : memref<2x32x1024xf32, #tpu.memory_space<vmem>>, vector<1x1x16xf32>,
        %get3A_366 = vector.shape_cast %get3A_365 : vector<1x1x16xf32> to vector<16xf32>
        %mul3A_367 = arith.mulf %get3A_366, %get3A_32 : vector<16xf32>
        %add3A_368 = arith.addf %mul3A_359, %mul3A_367 : vector<16xf32>
        %get3A_369 = arith.constant 0 : i32
        %get3A_370 = arith.constant 18 : i32
        %get3A_371 = arith.index_cast %get3A_369 : i32 to index
        %get3A_372 = arith.index_cast %get3A_370 : i32 to index
        %get3A_373 = arith.index_cast %mul3A_194 : i32 to index
        %get3A_374 = tpu.vector_load %arg7[%get3A_371, %get3A_372, %get3A_373] {strides = array<i32>} : memref<2x32x1024xf32, #tpu.memory_space<vmem>>, vector<1x1x16xf32>,
        %get3A_375 = vector.shape_cast %get3A_374 : vector<1x1x16xf32> to vector<16xf32>
        %mul3A_376 = arith.mulf %get3A_375, %get3A_37 : vector<16xf32>
        %add3A_377 = arith.addf %add3A_368, %mul3A_376 : vector<16xf32>
        %get3A_378 = arith.constant 0 : i32
        %get3A_379 = arith.constant 19 : i32
        %get3A_380 = arith.index_cast %get3A_378 : i32 to index
        %get3A_381 = arith.index_cast %get3A_379 : i32 to index
        %get3A_382 = arith.index_cast %mul3A_194 : i32 to index
        %get3A_383 = tpu.vector_load %arg7[%get3A_380, %get3A_381, %get3A_382] {strides = array<i32>} : memref<2x32x1024xf32, #tpu.memory_space<vmem>>, vector<1x1x16xf32>,
        %get3A_384 = vector.shape_cast %get3A_383 : vector<1x1x16xf32> to vector<16xf32>
        %mul3A_385 = arith.mulf %get3A_384, %get3A_42 : vector<16xf32>
        %add3A_386 = arith.addf %add3A_377, %mul3A_385 : vector<16xf32>
        %get3A_387 = arith.constant 0 : i32
        %get3A_388 = arith.constant 20 : i32
        %get3A_389 = arith.index_cast %get3A_387 : i32 to index
        %get3A_390 = arith.index_cast %get3A_388 : i32 to index
        %get3A_391 = arith.index_cast %mul3A_194 : i32 to index
        %get3A_392 = tpu.vector_load %arg7[%get3A_389, %get3A_390, %get3A_391] {strides = array<i32>} : memref<2x32x1024xf32, #tpu.memory_space<vmem>>, vector<1x1x16xf32>,
        %get3A_393 = vector.shape_cast %get3A_392 : vector<1x1x16xf32> to vector<16xf32>
        %mul3A_394 = arith.mulf %get3A_393, %get3A_47 : vector<16xf32>
        %add3A_395 = arith.addf %add3A_386, %mul3A_394 : vector<16xf32>
        %get3A_396 = arith.constant 0 : i32
        %get3A_397 = arith.constant 21 : i32
        %get3A_398 = arith.index_cast %get3A_396 : i32 to index
        %get3A_399 = arith.index_cast %get3A_397 : i32 to index
        %get3A_400 = arith.index_cast %mul3A_194 : i32 to index
        %get3A_401 = tpu.vector_load %arg7[%get3A_398, %get3A_399, %get3A_400] {strides = array<i32>} : memref<2x32x1024xf32, #tpu.memory_space<vmem>>, vector<1x1x16xf32>,
        %get3A_402 = vector.shape_cast %get3A_401 : vector<1x1x16xf32> to vector<16xf32>
        %mul3A_403 = arith.mulf %get3A_402, %get3A_52 : vector<16xf32>
        %add3A_404 = arith.addf %add3A_395, %mul3A_403 : vector<16xf32>
        %get3A_405 = arith.constant 0 : i32
        %get3A_406 = arith.constant 22 : i32
        %get3A_407 = arith.index_cast %get3A_405 : i32 to index
        %get3A_408 = arith.index_cast %get3A_406 : i32 to index
        %get3A_409 = arith.index_cast %mul3A_194 : i32 to index
        %get3A_410 = tpu.vector_load %arg7[%get3A_407, %get3A_408, %get3A_409] {strides = array<i32>} : memref<2x32x1024xf32, #tpu.memory_space<vmem>>, vector<1x1x16xf32>,
        %get3A_411 = vector.shape_cast %get3A_410 : vector<1x1x16xf32> to vector<16xf32>
        %mul3A_412 = arith.mulf %get3A_411, %get3A_57 : vector<16xf32>
        %add3A_413 = arith.addf %add3A_404, %mul3A_412 : vector<16xf32>
        %get3A_414 = arith.constant 0 : i32
        %get3A_415 = arith.constant 23 : i32
        %get3A_416 = arith.index_cast %get3A_414 : i32 to index
        %get3A_417 = arith.index_cast %get3A_415 : i32 to index
        %get3A_418 = arith.index_cast %mul3A_194 : i32 to index
        %get3A_419 = tpu.vector_load %arg7[%get3A_416, %get3A_417, %get3A_418] {strides = array<i32>} : memref<2x32x1024xf32, #tpu.memory_space<vmem>>, vector<1x1x16xf32>,
        %get3A_420 = vector.shape_cast %get3A_419 : vector<1x1x16xf32> to vector<16xf32>
        %mul3A_421 = arith.mulf %get3A_420, %get3A_62 : vector<16xf32>
        %add3A_422 = arith.addf %add3A_413, %mul3A_421 : vector<16xf32>
        %swap3A_423 = arith.constant 0 : i32
        %swap3A_424 = arith.constant 2 : i32
        %swap3A_425 = arith.index_cast %swap3A_423 : i32 to index
        %swap3A_426 = arith.index_cast %swap3A_424 : i32 to index
        %swap3A_427 = arith.index_cast %mul3A_194 : i32 to index
        %swap3A_428 = tpu.vector_load %arg8[%swap3A_425, %swap3A_426, %swap3A_427] {strides = array<i32>} : memref<2x4x1024xf32, #tpu.memory_space<vmem>>, vector<1x1x16xf32>,
        %swap3A_429 = vector.shape_cast %swap3A_428 : vector<1x1x16xf32> to vector<16xf32>
        %swap3A_430 = vector.shape_cast %add3A_422 : vector<16xf32> to vector<1x1x16xf32>
        tpu.vector_store %arg8[%swap3A_425, %swap3A_426, %swap3A_427], %swap3A_430 {strides = array<i32>} : memref<2x4x1024xf32, #tpu.memory_space<vmem>>, vector<1x1x16xf32>,
        %get3A_431 = arith.constant 0 : i32
        %get3A_432 = arith.constant 24 : i32
        %get3A_433 = arith.index_cast %get3A_431 : i32 to index
        %get3A_434 = arith.index_cast %get3A_432 : i32 to index
        %get3A_435 = arith.index_cast %mul3A_194 : i32 to index
        %get3A_436 = tpu.vector_load %arg7[%get3A_433, %get3A_434, %get3A_435] {strides = array<i32>} : memref<2x32x1024xf32, #tpu.memory_space<vmem>>, vector<1x1x16xf32>,
        %get3A_437 = vector.shape_cast %get3A_436 : vector<1x1x16xf32> to vector<16xf32>
        %mul3A_438 = arith.mulf %get3A_437, %get3A_27 : vector<16xf32>
        %get3A_439 = arith.constant 0 : i32
        %get3A_440 = arith.constant 25 : i32
        %get3A_441 = arith.index_cast %get3A_439 : i32 to index
        %get3A_442 = arith.index_cast %get3A_440 : i32 to index
        %get3A_443 = arith.index_cast %mul3A_194 : i32 to index
        %get3A_444 = tpu.vector_load %arg7[%get3A_441, %get3A_442, %get3A_443] {strides = array<i32>} : memref<2x32x1024xf32, #tpu.memory_space<vmem>>, vector<1x1x16xf32>,
        %get3A_445 = vector.shape_cast %get3A_444 : vector<1x1x16xf32> to vector<16xf32>
        %mul3A_446 = arith.mulf %get3A_445, %get3A_32 : vector<16xf32>
        %add3A_447 = arith.addf %mul3A_438, %mul3A_446 : vector<16xf32>
        %get3A_448 = arith.constant 0 : i32
        %get3A_449 = arith.constant 26 : i32
        %get3A_450 = arith.index_cast %get3A_448 : i32 to index
        %get3A_451 = arith.index_cast %get3A_449 : i32 to index
        %get3A_452 = arith.index_cast %mul3A_194 : i32 to index
        %get3A_453 = tpu.vector_load %arg7[%get3A_450, %get3A_451, %get3A_452] {strides = array<i32>} : memref<2x32x1024xf32, #tpu.memory_space<vmem>>, vector<1x1x16xf32>,
        %get3A_454 = vector.shape_cast %get3A_453 : vector<1x1x16xf32> to vector<16xf32>
        %mul3A_455 = arith.mulf %get3A_454, %get3A_37 : vector<16xf32>
        %add3A_456 = arith.addf %add3A_447, %mul3A_455 : vector<16xf32>
        %get3A_457 = arith.constant 0 : i32
        %get3A_458 = arith.constant 27 : i32
        %get3A_459 = arith.index_cast %get3A_457 : i32 to index
        %get3A_460 = arith.index_cast %get3A_458 : i32 to index
        %get3A_461 = arith.index_cast %mul3A_194 : i32 to index
        %get3A_462 = tpu.vector_load %arg7[%get3A_459, %get3A_460, %get3A_461] {strides = array<i32>} : memref<2x32x1024xf32, #tpu.memory_space<vmem>>, vector<1x1x16xf32>,
        %get3A_463 = vector.shape_cast %get3A_462 : vector<1x1x16xf32> to vector<16xf32>
        %mul3A_464 = arith.mulf %get3A_463, %get3A_42 : vector<16xf32>
        %add3A_465 = arith.addf %add3A_456, %mul3A_464 : vector<16xf32>
        %get3A_466 = arith.constant 0 : i32
        %get3A_467 = arith.constant 28 : i32
        %get3A_468 = arith.index_cast %get3A_466 : i32 to index
        %get3A_469 = arith.index_cast %get3A_467 : i32 to index
        %get3A_470 = arith.index_cast %mul3A_194 : i32 to index
        %get3A_471 = tpu.vector_load %arg7[%get3A_468, %get3A_469, %get3A_470] {strides = array<i32>} : memref<2x32x1024xf32, #tpu.memory_space<vmem>>, vector<1x1x16xf32>,
        %get3A_472 = vector.shape_cast %get3A_471 : vector<1x1x16xf32> to vector<16xf32>
        %mul3A_473 = arith.mulf %get3A_472, %get3A_47 : vector<16xf32>
        %add3A_474 = arith.addf %add3A_465, %mul3A_473 : vector<16xf32>
        %get3A_475 = arith.constant 0 : i32
        %get3A_476 = arith.constant 29 : i32
        %get3A_477 = arith.index_cast %get3A_475 : i32 to index
        %get3A_478 = arith.index_cast %get3A_476 : i32 to index
        %get3A_479 = arith.index_cast %mul3A_194 : i32 to index
        %get3A_480 = tpu.vector_load %arg7[%get3A_477, %get3A_478, %get3A_479] {strides = array<i32>} : memref<2x32x1024xf32, #tpu.memory_space<vmem>>, vector<1x1x16xf32>,
        %get3A_481 = vector.shape_cast %get3A_480 : vector<1x1x16xf32> to vector<16xf32>
        %mul3A_482 = arith.mulf %get3A_481, %get3A_52 : vector<16xf32>
        %add3A_483 = arith.addf %add3A_474, %mul3A_482 : vector<16xf32>
        %get3A_484 = arith.constant 0 : i32
        %get3A_485 = arith.constant 30 : i32
        %get3A_486 = arith.index_cast %get3A_484 : i32 to index
        %get3A_487 = arith.index_cast %get3A_485 : i32 to index
        %get3A_488 = arith.index_cast %mul3A_194 : i32 to index
        %get3A_489 = tpu.vector_load %arg7[%get3A_486, %get3A_487, %get3A_488] {strides = array<i32>} : memref<2x32x1024xf32, #tpu.memory_space<vmem>>, vector<1x1x16xf32>,
        %get3A_490 = vector.shape_cast %get3A_489 : vector<1x1x16xf32> to vector<16xf32>
        %mul3A_491 = arith.mulf %get3A_490, %get3A_57 : vector<16xf32>
        %add3A_492 = arith.addf %add3A_483, %mul3A_491 : vector<16xf32>
        %get3A_493 = arith.constant 0 : i32
        %get3A_494 = arith.constant 31 : i32
        %get3A_495 = arith.index_cast %get3A_493 : i32 to index
        %get3A_496 = arith.index_cast %get3A_494 : i32 to index
        %get3A_497 = arith.index_cast %mul3A_194 : i32 to index
        %get3A_498 = tpu.vector_load %arg7[%get3A_495, %get3A_496, %get3A_497] {strides = array<i32>} : memref<2x32x1024xf32, #tpu.memory_space<vmem>>, vector<1x1x16xf32>,
        %get3A_499 = vector.shape_cast %get3A_498 : vector<1x1x16xf32> to vector<16xf32>
        %mul3A_500 = arith.mulf %get3A_499, %get3A_62 : vector<16xf32>
        %add3A_501 = arith.addf %add3A_492, %mul3A_500 : vector<16xf32>
        %swap3A_502 = arith.constant 0 : i32
        %swap3A_503 = arith.constant 3 : i32
        %swap3A_504 = arith.index_cast %swap3A_502 : i32 to index
        %swap3A_505 = arith.index_cast %swap3A_503 : i32 to index
        %swap3A_506 = arith.index_cast %mul3A_194 : i32 to index
        %swap3A_507 = tpu.vector_load %arg8[%swap3A_504, %swap3A_505, %swap3A_506] {strides = array<i32>} : memref<2x4x1024xf32, #tpu.memory_space<vmem>>, vector<1x1x16xf32>,
        %swap3A_508 = vector.shape_cast %swap3A_507 : vector<1x1x16xf32> to vector<16xf32>
        %swap3A_509 = vector.shape_cast %add3A_501 : vector<16xf32> to vector<1x1x16xf32>
        tpu.vector_store %arg8[%swap3A_504, %swap3A_505, %swap3A_506], %swap3A_509 {strides = array<i32>} : memref<2x4x1024xf32, #tpu.memory_space<vmem>>, vector<1x1x16xf32>,
      }
      %scan3A_120 = arith.constant 64 : i32
      %add3A_121 = arith.constant 2 : i32
      %add3A_122 = arith.addi %add3A_101, %add3A_121 : i32
      %lt3A = arith.constant 128 : i32
      %lt3A_123 = arith.cmpi slt, %add3A_122, %lt3A : i32
      %convert_element_type3A_124 = arith.extui %lt3A_123 : i1 to i32
      %cond3A_125 = arith.constant 0 : i32
      %cond3A_126 = arith.cmpi ne, %convert_element_type3A_124, %cond3A_125 : i32
      scf.if %cond3A_126 {
        %add3A_192 = arith.constant 2 : i32
        %add3A_193 = arith.addi %add3A_101, %add3A_192 : i32
        %mul3A_194 = arith.constant 32 : i32
        %mul3A_195 = arith.muli %add3A_193, %mul3A_194 : i32
        %dma_start3A_196 = arith.constant 0 : i32
        %dma_start3A_197 = arith.constant 0 : i32
        %dma_start3A_198 = arith.constant 0 : i32
        %dma_start3A_199 = tpu.memref_slice %arg7[%dma_start3A_196, %dma_start3A_197, %dma_start3A_198] : memref<2x32x1024xf32, #tpu.memory_space<vmem>> -> memref<1x32x1024xf32, #tpu.memory_space<vmem>>
        %dma_start3A_200 = tpu.memref_squeeze %dma_start3A_199 : memref<1x32x1024xf32, #tpu.memory_space<vmem>> -> memref<32x1024xf32, #tpu.memory_space<vmem>>
        %dma_start3A_201 = tpu.memref_slice %arg6[%mul3A_195] : memref<4096xi32, #tpu.memory_space<vmem>> -> memref<32xi32, #tpu.memory_space<vmem>>
        %dma_start3A_202 = arith.constant 0 : i32
        %dma_start3A_203 = arith.constant 0 : i32
        %dma_start3A_204 = tpu.memref_slice %arg2[%dma_start3A_202, %dma_start3A_203] : memref<32768x1024xf32, #tpu.memory_space<hbm>> -> memref<32768x1024xf32, #tpu.memory_space<hbm>>
        tpu.enqueue_indirect_dma source(%dma_start3A_204 : memref<32768x1024xf32, #tpu.memory_space<hbm>>) target(%dma_start3A_200 : memref<32x1024xf32, #tpu.memory_space<vmem>>) offsets(%dma_start3A_201 : memref<32xi32, #tpu.memory_space<vmem>>) semaphore(%arg10 : memref<!tpu.dma_semaphore, #tpu.memory_space<semaphore_mem>>)
      } else {
      }
      %mul3A_127 = arith.constant 4 : i32
      %mul3A_128 = arith.muli %add3A_101, %mul3A_127 : i32
      %add3A_129 = arith.addi %mul3A_2, %mul3A_128 : i32
      %dma_start3A_130 = arith.constant 0 : i32
      %dma_start3A_131 = arith.constant 0 : i32
      %dma_start3A_132 = arith.constant 0 : i32
      %dma_start3A_133 = tpu.memref_slice %arg8[%dma_start3A_130, %dma_start3A_131, %dma_start3A_132] : memref<2x4x1024xf32, #tpu.memory_space<vmem>> -> memref<1x4x1024xf32, #tpu.memory_space<vmem>>
      %dma_start3A_134 = tpu.memref_squeeze %dma_start3A_133 : memref<1x4x1024xf32, #tpu.memory_space<vmem>> -> memref<4x1024xf32, #tpu.memory_space<vmem>>
      %dma_start3A_135 = arith.constant 0 : i32
      %dma_start3A_136 = tpu.memref_slice %arg5[%add3A_129, %dma_start3A_135] : memref<16384x1024xf32, #tpu.memory_space<hbm>> -> memref<4x1024xf32, #tpu.memory_space<hbm>>
      %dma_start3A_137 = arith.constant 0 : i32
      %dma_start3A_138 = tpu.memref_slice %arg5[%add3A_129, %dma_start3A_137] : memref<16384x1024xf32, #tpu.memory_space<hbm>> -> memref<4x1024xf32, #tpu.memory_space<hbm>>
      %dma_start3A_139 = arith.constant 0 : i32
      %dma_start3A_140 = arith.constant 0 : i32
      %dma_start3A_141 = tpu.memref_slice %arg8[%dma_start3A_130, %dma_start3A_139, %dma_start3A_140] : memref<2x4x1024xf32, #tpu.memory_space<vmem>> -> memref<1x4x1024xf32, #tpu.memory_space<vmem>>
      %dma_start3A_142 = tpu.memref_squeeze %dma_start3A_141 : memref<1x4x1024xf32, #tpu.memory_space<vmem>> -> memref<4x1024xf32, #tpu.memory_space<vmem>>
      tpu.enqueue_dma source(%dma_start3A_142 : memref<4x1024xf32, #tpu.memory_space<vmem>>) target(%dma_start3A_138 : memref<4x1024xf32, #tpu.memory_space<hbm>>) target_semaphore(%arg12 : memref<!tpu.dma_semaphore, #tpu.memory_space<semaphore_mem>>)
      %mul3A_143 = arith.constant 2 : i32
      %mul3A_144 = arith.muli %mul3A_143, %scan3A_97 : i32
      %add3A_145 = arith.constant 1 : i32
      %add3A_146 = arith.addi %mul3A_144, %add3A_145 : i32
      %mul3A_147 = arith.constant 32 : i32
      %mul3A_148 = arith.muli %add3A_146, %mul3A_147 : i32
      %dma_wait3A_149 = arith.constant 1 : i32
      %dma_wait3A_150 = arith.constant 0 : i32
      %dma_wait3A_151 = arith.constant 0 : i32
      %dma_wait3A_152 = tpu.memref_slice %arg7[%dma_wait3A_149, %dma_wait3A_150, %dma_wait3A_151] : memref<2x32x1024xf32, #tpu.memory_space<vmem>> -> memref<1x32x1024xf32, #tpu.memory_space<vmem>>
      %dma_wait3A_153 = tpu.memref_squeeze %dma_wait3A_152 : memref<1x32x1024xf32, #tpu.memory_space<vmem>> -> memref<32x1024xf32, #tpu.memory_space<vmem>>
      %dma_wait3A_154 = tpu.memref_slice %arg6[%mul3A_148] : memref<4096xi32, #tpu.memory_space<vmem>> -> memref<32xi32, #tpu.memory_space<vmem>>
      %dma_wait3A_155 = arith.constant 0 : i32
      %dma_wait3A_156 = arith.constant 0 : i32
      %dma_wait3A_157 = tpu.memref_slice %arg2[%dma_wait3A_155, %dma_wait3A_156] : memref<32768x1024xf32, #tpu.memory_space<hbm>> -> memref<32768x1024xf32, #tpu.memory_space<hbm>>
      tpu.wait_indirect_dma semaphore(%arg11 : memref<!tpu.dma_semaphore, #tpu.memory_space<semaphore_mem>>) src(%dma_wait3A_157 : memref<32768x1024xf32, #tpu.memory_space<hbm>>) dst(%dma_wait3A_153 : memref<32x1024xf32, #tpu.memory_space<vmem>>)
      %ge3A_158 = arith.constant 2 : i32
      %ge3A_159 = arith.cmpi sge, %add3A_146, %ge3A_158 : i32
      %convert_element_type3A_160 = arith.extui %ge3A_159 : i1 to i32
      %cond3A_161 = arith.constant 0 : i32
      %cond3A_162 = arith.cmpi ne, %convert_element_type3A_160, %cond3A_161 : i32
      scf.if %cond3A_162 {
        %sub3A = arith.constant 2 : i32
        %sub3A_192 = arith.subi %add3A_146, %sub3A : i32
        %mul3A_193 = arith.constant 4 : i32
        %mul3A_194 = arith.muli %sub3A_192, %mul3A_193 : i32
        %add3A_195 = arith.addi %mul3A_2, %mul3A_194 : i32
        %dma_wait3A_196 = arith.constant 1 : i32
        %dma_wait3A_197 = arith.constant 0 : i32
        %dma_wait3A_198 = arith.constant 0 : i32
        %dma_wait3A_199 = tpu.memref_slice %arg8[%dma_wait3A_196, %dma_wait3A_197, %dma_wait3A_198] : memref<2x4x1024xf32, #tpu.memory_space<vmem>> -> memref<1x4x1024xf32, #tpu.memory_space<vmem>>
        %dma_wait3A_200 = tpu.memref_squeeze %dma_wait3A_199 : memref<1x4x1024xf32, #tpu.memory_space<vmem>> -> memref<4x1024xf32, #tpu.memory_space<vmem>>
        %dma_wait3A_201 = arith.constant 0 : i32
        %dma_wait3A_202 = tpu.memref_slice %arg5[%add3A_195, %dma_wait3A_201] : memref<16384x1024xf32, #tpu.memory_space<hbm>> -> memref<4x1024xf32, #tpu.memory_space<hbm>>
        %dma_wait3A_203 = arith.constant 0 : i32
        %dma_wait3A_204 = tpu.memref_slice %arg5[%add3A_195, %dma_wait3A_203] : memref<16384x1024xf32, #tpu.memory_space<hbm>> -> memref<4x1024xf32, #tpu.memory_space<hbm>>
        %dma_wait3A_205 = arith.constant 0 : i32
        %dma_wait3A_206 = arith.constant 0 : i32
        %dma_wait3A_207 = tpu.memref_slice %arg8[%dma_wait3A_196, %dma_wait3A_205, %dma_wait3A_206] : memref<2x4x1024xf32, #tpu.memory_space<vmem>> -> memref<1x4x1024xf32, #tpu.memory_space<vmem>>
        %dma_wait3A_208 = tpu.memref_squeeze %dma_wait3A_207 : memref<1x4x1024xf32, #tpu.memory_space<vmem>> -> memref<4x1024xf32, #tpu.memory_space<vmem>>
        tpu.wait_dma2 semaphore(%arg13 : memref<!tpu.dma_semaphore, #tpu.memory_space<semaphore_mem>>) src(%dma_wait3A_208 : memref<4x1024xf32, #tpu.memory_space<vmem>>) dst(%dma_wait3A_204 : memref<4x1024xf32, #tpu.memory_space<hbm>>)
      } else {
      }
      %scan3A_163 = arith.constant 0 : i32
      %scan3A_164 = arith.constant 0 : i32
      %scan3A_165 = arith.constant 64 : i32
      %scan3A_166 = arith.addi %scan3A_164, %scan3A_165 : i32
      %scan3A_167 = arith.constant 1 : i32
      scf.for %scan3A_192 = %scan3A_164 to %scan3A_166 step %scan3A_167  : i32 {
        %mul3A_193 = arith.constant 16 : i32
        %mul3A_194 = arith.muli %scan3A_192, %mul3A_193 : i32
        %get3A_195 = arith.constant 1 : i32
        %get3A_196 = arith.constant 0 : i32
        %get3A_197 = arith.index_cast %get3A_195 : i32 to index
        %get3A_198 = arith.index_cast %get3A_196 : i32 to index
        %get3A_199 = arith.index_cast %mul3A_194 : i32 to index
        %get3A_200 = tpu.vector_load %arg7[%get3A_197, %get3A_198, %get3A_199] {strides = array<i32>} : memref<2x32x1024xf32, #tpu.memory_space<vmem>>, vector<1x1x16xf32>,
        %get3A_201 = vector.shape_cast %get3A_200 : vector<1x1x16xf32> to vector<16xf32>
        %mul3A_202 = arith.mulf %get3A_201, %get3A_27 : vector<16xf32>
        %get3A_203 = arith.constant 1 : i32
        %get3A_204 = arith.constant 1 : i32
        %get3A_205 = arith.index_cast %get3A_203 : i32 to index
        %get3A_206 = arith.index_cast %get3A_204 : i32 to index
        %get3A_207 = arith.index_cast %mul3A_194 : i32 to index
        %get3A_208 = tpu.vector_load %arg7[%get3A_205, %get3A_206, %get3A_207] {strides = array<i32>} : memref<2x32x1024xf32, #tpu.memory_space<vmem>>, vector<1x1x16xf32>,
        %get3A_209 = vector.shape_cast %get3A_208 : vector<1x1x16xf32> to vector<16xf32>
        %mul3A_210 = arith.mulf %get3A_209, %get3A_32 : vector<16xf32>
        %add3A_211 = arith.addf %mul3A_202, %mul3A_210 : vector<16xf32>
        %get3A_212 = arith.constant 1 : i32
        %get3A_213 = arith.constant 2 : i32
        %get3A_214 = arith.index_cast %get3A_212 : i32 to index
        %get3A_215 = arith.index_cast %get3A_213 : i32 to index
        %get3A_216 = arith.index_cast %mul3A_194 : i32 to index
        %get3A_217 = tpu.vector_load %arg7[%get3A_214, %get3A_215, %get3A_216] {strides = array<i32>} : memref<2x32x1024xf32, #tpu.memory_space<vmem>>, vector<1x1x16xf32>,
        %get3A_218 = vector.shape_cast %get3A_217 : vector<1x1x16xf32> to vector<16xf32>
        %mul3A_219 = arith.mulf %get3A_218, %get3A_37 : vector<16xf32>
        %add3A_220 = arith.addf %add3A_211, %mul3A_219 : vector<16xf32>
        %get3A_221 = arith.constant 1 : i32
        %get3A_222 = arith.constant 3 : i32
        %get3A_223 = arith.index_cast %get3A_221 : i32 to index
        %get3A_224 = arith.index_cast %get3A_222 : i32 to index
        %get3A_225 = arith.index_cast %mul3A_194 : i32 to index
        %get3A_226 = tpu.vector_load %arg7[%get3A_223, %get3A_224, %get3A_225] {strides = array<i32>} : memref<2x32x1024xf32, #tpu.memory_space<vmem>>, vector<1x1x16xf32>,
        %get3A_227 = vector.shape_cast %get3A_226 : vector<1x1x16xf32> to vector<16xf32>
        %mul3A_228 = arith.mulf %get3A_227, %get3A_42 : vector<16xf32>
        %add3A_229 = arith.addf %add3A_220, %mul3A_228 : vector<16xf32>
        %get3A_230 = arith.constant 1 : i32
        %get3A_231 = arith.constant 4 : i32
        %get3A_232 = arith.index_cast %get3A_230 : i32 to index
        %get3A_233 = arith.index_cast %get3A_231 : i32 to index
        %get3A_234 = arith.index_cast %mul3A_194 : i32 to index
        %get3A_235 = tpu.vector_load %arg7[%get3A_232, %get3A_233, %get3A_234] {strides = array<i32>} : memref<2x32x1024xf32, #tpu.memory_space<vmem>>, vector<1x1x16xf32>,
        %get3A_236 = vector.shape_cast %get3A_235 : vector<1x1x16xf32> to vector<16xf32>
        %mul3A_237 = arith.mulf %get3A_236, %get3A_47 : vector<16xf32>
        %add3A_238 = arith.addf %add3A_229, %mul3A_237 : vector<16xf32>
        %get3A_239 = arith.constant 1 : i32
        %get3A_240 = arith.constant 5 : i32
        %get3A_241 = arith.index_cast %get3A_239 : i32 to index
        %get3A_242 = arith.index_cast %get3A_240 : i32 to index
        %get3A_243 = arith.index_cast %mul3A_194 : i32 to index
        %get3A_244 = tpu.vector_load %arg7[%get3A_241, %get3A_242, %get3A_243] {strides = array<i32>} : memref<2x32x1024xf32, #tpu.memory_space<vmem>>, vector<1x1x16xf32>,
        %get3A_245 = vector.shape_cast %get3A_244 : vector<1x1x16xf32> to vector<16xf32>
        %mul3A_246 = arith.mulf %get3A_245, %get3A_52 : vector<16xf32>
        %add3A_247 = arith.addf %add3A_238, %mul3A_246 : vector<16xf32>
        %get3A_248 = arith.constant 1 : i32
        %get3A_249 = arith.constant 6 : i32
        %get3A_250 = arith.index_cast %get3A_248 : i32 to index
        %get3A_251 = arith.index_cast %get3A_249 : i32 to index
        %get3A_252 = arith.index_cast %mul3A_194 : i32 to index
        %get3A_253 = tpu.vector_load %arg7[%get3A_250, %get3A_251, %get3A_252] {strides = array<i32>} : memref<2x32x1024xf32, #tpu.memory_space<vmem>>, vector<1x1x16xf32>,
        %get3A_254 = vector.shape_cast %get3A_253 : vector<1x1x16xf32> to vector<16xf32>
        %mul3A_255 = arith.mulf %get3A_254, %get3A_57 : vector<16xf32>
        %add3A_256 = arith.addf %add3A_247, %mul3A_255 : vector<16xf32>
        %get3A_257 = arith.constant 1 : i32
        %get3A_258 = arith.constant 7 : i32
        %get3A_259 = arith.index_cast %get3A_257 : i32 to index
        %get3A_260 = arith.index_cast %get3A_258 : i32 to index
        %get3A_261 = arith.index_cast %mul3A_194 : i32 to index
        %get3A_262 = tpu.vector_load %arg7[%get3A_259, %get3A_260, %get3A_261] {strides = array<i32>} : memref<2x32x1024xf32, #tpu.memory_space<vmem>>, vector<1x1x16xf32>,
        %get3A_263 = vector.shape_cast %get3A_262 : vector<1x1x16xf32> to vector<16xf32>
        %mul3A_264 = arith.mulf %get3A_263, %get3A_62 : vector<16xf32>
        %add3A_265 = arith.addf %add3A_256, %mul3A_264 : vector<16xf32>
        %swap3A = arith.constant 1 : i32
        %swap3A_266 = arith.constant 0 : i32
        %swap3A_267 = arith.index_cast %swap3A : i32 to index
        %swap3A_268 = arith.index_cast %swap3A_266 : i32 to index
        %swap3A_269 = arith.index_cast %mul3A_194 : i32 to index
        %swap3A_270 = tpu.vector_load %arg8[%swap3A_267, %swap3A_268, %swap3A_269] {strides = array<i32>} : memref<2x4x1024xf32, #tpu.memory_space<vmem>>, vector<1x1x16xf32>,
        %swap3A_271 = vector.shape_cast %swap3A_270 : vector<1x1x16xf32> to vector<16xf32>
        %swap3A_272 = vector.shape_cast %add3A_265 : vector<16xf32> to vector<1x1x16xf32>
        tpu.vector_store %arg8[%swap3A_267, %swap3A_268, %swap3A_269], %swap3A_272 {strides = array<i32>} : memref<2x4x1024xf32, #tpu.memory_space<vmem>>, vector<1x1x16xf32>,
        %get3A_273 = arith.constant 1 : i32
        %get3A_274 = arith.constant 8 : i32
        %get3A_275 = arith.index_cast %get3A_273 : i32 to index
        %get3A_276 = arith.index_cast %get3A_274 : i32 to index
        %get3A_277 = arith.index_cast %mul3A_194 : i32 to index
        %get3A_278 = tpu.vector_load %arg7[%get3A_275, %get3A_276, %get3A_277] {strides = array<i32>} : memref<2x32x1024xf32, #tpu.memory_space<vmem>>, vector<1x1x16xf32>,
        %get3A_279 = vector.shape_cast %get3A_278 : vector<1x1x16xf32> to vector<16xf32>
        %mul3A_280 = arith.mulf %get3A_279, %get3A_27 : vector<16xf32>
        %get3A_281 = arith.constant 1 : i32
        %get3A_282 = arith.constant 9 : i32
        %get3A_283 = arith.index_cast %get3A_281 : i32 to index
        %get3A_284 = arith.index_cast %get3A_282 : i32 to index
        %get3A_285 = arith.index_cast %mul3A_194 : i32 to index
        %get3A_286 = tpu.vector_load %arg7[%get3A_283, %get3A_284, %get3A_285] {strides = array<i32>} : memref<2x32x1024xf32, #tpu.memory_space<vmem>>, vector<1x1x16xf32>,
        %get3A_287 = vector.shape_cast %get3A_286 : vector<1x1x16xf32> to vector<16xf32>
        %mul3A_288 = arith.mulf %get3A_287, %get3A_32 : vector<16xf32>
        %add3A_289 = arith.addf %mul3A_280, %mul3A_288 : vector<16xf32>
        %get3A_290 = arith.constant 1 : i32
        %get3A_291 = arith.constant 10 : i32
        %get3A_292 = arith.index_cast %get3A_290 : i32 to index
        %get3A_293 = arith.index_cast %get3A_291 : i32 to index
        %get3A_294 = arith.index_cast %mul3A_194 : i32 to index
        %get3A_295 = tpu.vector_load %arg7[%get3A_292, %get3A_293, %get3A_294] {strides = array<i32>} : memref<2x32x1024xf32, #tpu.memory_space<vmem>>, vector<1x1x16xf32>,
        %get3A_296 = vector.shape_cast %get3A_295 : vector<1x1x16xf32> to vector<16xf32>
        %mul3A_297 = arith.mulf %get3A_296, %get3A_37 : vector<16xf32>
        %add3A_298 = arith.addf %add3A_289, %mul3A_297 : vector<16xf32>
        %get3A_299 = arith.constant 1 : i32
        %get3A_300 = arith.constant 11 : i32
        %get3A_301 = arith.index_cast %get3A_299 : i32 to index
        %get3A_302 = arith.index_cast %get3A_300 : i32 to index
        %get3A_303 = arith.index_cast %mul3A_194 : i32 to index
        %get3A_304 = tpu.vector_load %arg7[%get3A_301, %get3A_302, %get3A_303] {strides = array<i32>} : memref<2x32x1024xf32, #tpu.memory_space<vmem>>, vector<1x1x16xf32>,
        %get3A_305 = vector.shape_cast %get3A_304 : vector<1x1x16xf32> to vector<16xf32>
        %mul3A_306 = arith.mulf %get3A_305, %get3A_42 : vector<16xf32>
        %add3A_307 = arith.addf %add3A_298, %mul3A_306 : vector<16xf32>
        %get3A_308 = arith.constant 1 : i32
        %get3A_309 = arith.constant 12 : i32
        %get3A_310 = arith.index_cast %get3A_308 : i32 to index
        %get3A_311 = arith.index_cast %get3A_309 : i32 to index
        %get3A_312 = arith.index_cast %mul3A_194 : i32 to index
        %get3A_313 = tpu.vector_load %arg7[%get3A_310, %get3A_311, %get3A_312] {strides = array<i32>} : memref<2x32x1024xf32, #tpu.memory_space<vmem>>, vector<1x1x16xf32>,
        %get3A_314 = vector.shape_cast %get3A_313 : vector<1x1x16xf32> to vector<16xf32>
        %mul3A_315 = arith.mulf %get3A_314, %get3A_47 : vector<16xf32>
        %add3A_316 = arith.addf %add3A_307, %mul3A_315 : vector<16xf32>
        %get3A_317 = arith.constant 1 : i32
        %get3A_318 = arith.constant 13 : i32
        %get3A_319 = arith.index_cast %get3A_317 : i32 to index
        %get3A_320 = arith.index_cast %get3A_318 : i32 to index
        %get3A_321 = arith.index_cast %mul3A_194 : i32 to index
        %get3A_322 = tpu.vector_load %arg7[%get3A_319, %get3A_320, %get3A_321] {strides = array<i32>} : memref<2x32x1024xf32, #tpu.memory_space<vmem>>, vector<1x1x16xf32>,
        %get3A_323 = vector.shape_cast %get3A_322 : vector<1x1x16xf32> to vector<16xf32>
        %mul3A_324 = arith.mulf %get3A_323, %get3A_52 : vector<16xf32>
        %add3A_325 = arith.addf %add3A_316, %mul3A_324 : vector<16xf32>
        %get3A_326 = arith.constant 1 : i32
        %get3A_327 = arith.constant 14 : i32
        %get3A_328 = arith.index_cast %get3A_326 : i32 to index
        %get3A_329 = arith.index_cast %get3A_327 : i32 to index
        %get3A_330 = arith.index_cast %mul3A_194 : i32 to index
        %get3A_331 = tpu.vector_load %arg7[%get3A_328, %get3A_329, %get3A_330] {strides = array<i32>} : memref<2x32x1024xf32, #tpu.memory_space<vmem>>, vector<1x1x16xf32>,
        %get3A_332 = vector.shape_cast %get3A_331 : vector<1x1x16xf32> to vector<16xf32>
        %mul3A_333 = arith.mulf %get3A_332, %get3A_57 : vector<16xf32>
        %add3A_334 = arith.addf %add3A_325, %mul3A_333 : vector<16xf32>
        %get3A_335 = arith.constant 1 : i32
        %get3A_336 = arith.constant 15 : i32
        %get3A_337 = arith.index_cast %get3A_335 : i32 to index
        %get3A_338 = arith.index_cast %get3A_336 : i32 to index
        %get3A_339 = arith.index_cast %mul3A_194 : i32 to index
        %get3A_340 = tpu.vector_load %arg7[%get3A_337, %get3A_338, %get3A_339] {strides = array<i32>} : memref<2x32x1024xf32, #tpu.memory_space<vmem>>, vector<1x1x16xf32>,
        %get3A_341 = vector.shape_cast %get3A_340 : vector<1x1x16xf32> to vector<16xf32>
        %mul3A_342 = arith.mulf %get3A_341, %get3A_62 : vector<16xf32>
        %add3A_343 = arith.addf %add3A_334, %mul3A_342 : vector<16xf32>
        %swap3A_344 = arith.constant 1 : i32
        %swap3A_345 = arith.constant 1 : i32
        %swap3A_346 = arith.index_cast %swap3A_344 : i32 to index
        %swap3A_347 = arith.index_cast %swap3A_345 : i32 to index
        %swap3A_348 = arith.index_cast %mul3A_194 : i32 to index
        %swap3A_349 = tpu.vector_load %arg8[%swap3A_346, %swap3A_347, %swap3A_348] {strides = array<i32>} : memref<2x4x1024xf32, #tpu.memory_space<vmem>>, vector<1x1x16xf32>,
        %swap3A_350 = vector.shape_cast %swap3A_349 : vector<1x1x16xf32> to vector<16xf32>
        %swap3A_351 = vector.shape_cast %add3A_343 : vector<16xf32> to vector<1x1x16xf32>
        tpu.vector_store %arg8[%swap3A_346, %swap3A_347, %swap3A_348], %swap3A_351 {strides = array<i32>} : memref<2x4x1024xf32, #tpu.memory_space<vmem>>, vector<1x1x16xf32>,
        %get3A_352 = arith.constant 1 : i32
        %get3A_353 = arith.constant 16 : i32
        %get3A_354 = arith.index_cast %get3A_352 : i32 to index
        %get3A_355 = arith.index_cast %get3A_353 : i32 to index
        %get3A_356 = arith.index_cast %mul3A_194 : i32 to index
        %get3A_357 = tpu.vector_load %arg7[%get3A_354, %get3A_355, %get3A_356] {strides = array<i32>} : memref<2x32x1024xf32, #tpu.memory_space<vmem>>, vector<1x1x16xf32>,
        %get3A_358 = vector.shape_cast %get3A_357 : vector<1x1x16xf32> to vector<16xf32>
        %mul3A_359 = arith.mulf %get3A_358, %get3A_27 : vector<16xf32>
        %get3A_360 = arith.constant 1 : i32
        %get3A_361 = arith.constant 17 : i32
        %get3A_362 = arith.index_cast %get3A_360 : i32 to index
        %get3A_363 = arith.index_cast %get3A_361 : i32 to index
        %get3A_364 = arith.index_cast %mul3A_194 : i32 to index
        %get3A_365 = tpu.vector_load %arg7[%get3A_362, %get3A_363, %get3A_364] {strides = array<i32>} : memref<2x32x1024xf32, #tpu.memory_space<vmem>>, vector<1x1x16xf32>,
        %get3A_366 = vector.shape_cast %get3A_365 : vector<1x1x16xf32> to vector<16xf32>
        %mul3A_367 = arith.mulf %get3A_366, %get3A_32 : vector<16xf32>
        %add3A_368 = arith.addf %mul3A_359, %mul3A_367 : vector<16xf32>
        %get3A_369 = arith.constant 1 : i32
        %get3A_370 = arith.constant 18 : i32
        %get3A_371 = arith.index_cast %get3A_369 : i32 to index
        %get3A_372 = arith.index_cast %get3A_370 : i32 to index
        %get3A_373 = arith.index_cast %mul3A_194 : i32 to index
        %get3A_374 = tpu.vector_load %arg7[%get3A_371, %get3A_372, %get3A_373] {strides = array<i32>} : memref<2x32x1024xf32, #tpu.memory_space<vmem>>, vector<1x1x16xf32>,
        %get3A_375 = vector.shape_cast %get3A_374 : vector<1x1x16xf32> to vector<16xf32>
        %mul3A_376 = arith.mulf %get3A_375, %get3A_37 : vector<16xf32>
        %add3A_377 = arith.addf %add3A_368, %mul3A_376 : vector<16xf32>
        %get3A_378 = arith.constant 1 : i32
        %get3A_379 = arith.constant 19 : i32
        %get3A_380 = arith.index_cast %get3A_378 : i32 to index
        %get3A_381 = arith.index_cast %get3A_379 : i32 to index
        %get3A_382 = arith.index_cast %mul3A_194 : i32 to index
        %get3A_383 = tpu.vector_load %arg7[%get3A_380, %get3A_381, %get3A_382] {strides = array<i32>} : memref<2x32x1024xf32, #tpu.memory_space<vmem>>, vector<1x1x16xf32>,
        %get3A_384 = vector.shape_cast %get3A_383 : vector<1x1x16xf32> to vector<16xf32>
        %mul3A_385 = arith.mulf %get3A_384, %get3A_42 : vector<16xf32>
        %add3A_386 = arith.addf %add3A_377, %mul3A_385 : vector<16xf32>
        %get3A_387 = arith.constant 1 : i32
        %get3A_388 = arith.constant 20 : i32
        %get3A_389 = arith.index_cast %get3A_387 : i32 to index
        %get3A_390 = arith.index_cast %get3A_388 : i32 to index
        %get3A_391 = arith.index_cast %mul3A_194 : i32 to index
        %get3A_392 = tpu.vector_load %arg7[%get3A_389, %get3A_390, %get3A_391] {strides = array<i32>} : memref<2x32x1024xf32, #tpu.memory_space<vmem>>, vector<1x1x16xf32>,
        %get3A_393 = vector.shape_cast %get3A_392 : vector<1x1x16xf32> to vector<16xf32>
        %mul3A_394 = arith.mulf %get3A_393, %get3A_47 : vector<16xf32>
        %add3A_395 = arith.addf %add3A_386, %mul3A_394 : vector<16xf32>
        %get3A_396 = arith.constant 1 : i32
        %get3A_397 = arith.constant 21 : i32
        %get3A_398 = arith.index_cast %get3A_396 : i32 to index
        %get3A_399 = arith.index_cast %get3A_397 : i32 to index
        %get3A_400 = arith.index_cast %mul3A_194 : i32 to index
        %get3A_401 = tpu.vector_load %arg7[%get3A_398, %get3A_399, %get3A_400] {strides = array<i32>} : memref<2x32x1024xf32, #tpu.memory_space<vmem>>, vector<1x1x16xf32>,
        %get3A_402 = vector.shape_cast %get3A_401 : vector<1x1x16xf32> to vector<16xf32>
        %mul3A_403 = arith.mulf %get3A_402, %get3A_52 : vector<16xf32>
        %add3A_404 = arith.addf %add3A_395, %mul3A_403 : vector<16xf32>
        %get3A_405 = arith.constant 1 : i32
        %get3A_406 = arith.constant 22 : i32
        %get3A_407 = arith.index_cast %get3A_405 : i32 to index
        %get3A_408 = arith.index_cast %get3A_406 : i32 to index
        %get3A_409 = arith.index_cast %mul3A_194 : i32 to index
        %get3A_410 = tpu.vector_load %arg7[%get3A_407, %get3A_408, %get3A_409] {strides = array<i32>} : memref<2x32x1024xf32, #tpu.memory_space<vmem>>, vector<1x1x16xf32>,
        %get3A_411 = vector.shape_cast %get3A_410 : vector<1x1x16xf32> to vector<16xf32>
        %mul3A_412 = arith.mulf %get3A_411, %get3A_57 : vector<16xf32>
        %add3A_413 = arith.addf %add3A_404, %mul3A_412 : vector<16xf32>
        %get3A_414 = arith.constant 1 : i32
        %get3A_415 = arith.constant 23 : i32
        %get3A_416 = arith.index_cast %get3A_414 : i32 to index
        %get3A_417 = arith.index_cast %get3A_415 : i32 to index
        %get3A_418 = arith.index_cast %mul3A_194 : i32 to index
        %get3A_419 = tpu.vector_load %arg7[%get3A_416, %get3A_417, %get3A_418] {strides = array<i32>} : memref<2x32x1024xf32, #tpu.memory_space<vmem>>, vector<1x1x16xf32>,
        %get3A_420 = vector.shape_cast %get3A_419 : vector<1x1x16xf32> to vector<16xf32>
        %mul3A_421 = arith.mulf %get3A_420, %get3A_62 : vector<16xf32>
        %add3A_422 = arith.addf %add3A_413, %mul3A_421 : vector<16xf32>
        %swap3A_423 = arith.constant 1 : i32
        %swap3A_424 = arith.constant 2 : i32
        %swap3A_425 = arith.index_cast %swap3A_423 : i32 to index
        %swap3A_426 = arith.index_cast %swap3A_424 : i32 to index
        %swap3A_427 = arith.index_cast %mul3A_194 : i32 to index
        %swap3A_428 = tpu.vector_load %arg8[%swap3A_425, %swap3A_426, %swap3A_427] {strides = array<i32>} : memref<2x4x1024xf32, #tpu.memory_space<vmem>>, vector<1x1x16xf32>,
        %swap3A_429 = vector.shape_cast %swap3A_428 : vector<1x1x16xf32> to vector<16xf32>
        %swap3A_430 = vector.shape_cast %add3A_422 : vector<16xf32> to vector<1x1x16xf32>
        tpu.vector_store %arg8[%swap3A_425, %swap3A_426, %swap3A_427], %swap3A_430 {strides = array<i32>} : memref<2x4x1024xf32, #tpu.memory_space<vmem>>, vector<1x1x16xf32>,
        %get3A_431 = arith.constant 1 : i32
        %get3A_432 = arith.constant 24 : i32
        %get3A_433 = arith.index_cast %get3A_431 : i32 to index
        %get3A_434 = arith.index_cast %get3A_432 : i32 to index
        %get3A_435 = arith.index_cast %mul3A_194 : i32 to index
        %get3A_436 = tpu.vector_load %arg7[%get3A_433, %get3A_434, %get3A_435] {strides = array<i32>} : memref<2x32x1024xf32, #tpu.memory_space<vmem>>, vector<1x1x16xf32>,
        %get3A_437 = vector.shape_cast %get3A_436 : vector<1x1x16xf32> to vector<16xf32>
        %mul3A_438 = arith.mulf %get3A_437, %get3A_27 : vector<16xf32>
        %get3A_439 = arith.constant 1 : i32
        %get3A_440 = arith.constant 25 : i32
        %get3A_441 = arith.index_cast %get3A_439 : i32 to index
        %get3A_442 = arith.index_cast %get3A_440 : i32 to index
        %get3A_443 = arith.index_cast %mul3A_194 : i32 to index
        %get3A_444 = tpu.vector_load %arg7[%get3A_441, %get3A_442, %get3A_443] {strides = array<i32>} : memref<2x32x1024xf32, #tpu.memory_space<vmem>>, vector<1x1x16xf32>,
        %get3A_445 = vector.shape_cast %get3A_444 : vector<1x1x16xf32> to vector<16xf32>
        %mul3A_446 = arith.mulf %get3A_445, %get3A_32 : vector<16xf32>
        %add3A_447 = arith.addf %mul3A_438, %mul3A_446 : vector<16xf32>
        %get3A_448 = arith.constant 1 : i32
        %get3A_449 = arith.constant 26 : i32
        %get3A_450 = arith.index_cast %get3A_448 : i32 to index
        %get3A_451 = arith.index_cast %get3A_449 : i32 to index
        %get3A_452 = arith.index_cast %mul3A_194 : i32 to index
        %get3A_453 = tpu.vector_load %arg7[%get3A_450, %get3A_451, %get3A_452] {strides = array<i32>} : memref<2x32x1024xf32, #tpu.memory_space<vmem>>, vector<1x1x16xf32>,
        %get3A_454 = vector.shape_cast %get3A_453 : vector<1x1x16xf32> to vector<16xf32>
        %mul3A_455 = arith.mulf %get3A_454, %get3A_37 : vector<16xf32>
        %add3A_456 = arith.addf %add3A_447, %mul3A_455 : vector<16xf32>
        %get3A_457 = arith.constant 1 : i32
        %get3A_458 = arith.constant 27 : i32
        %get3A_459 = arith.index_cast %get3A_457 : i32 to index
        %get3A_460 = arith.index_cast %get3A_458 : i32 to index
        %get3A_461 = arith.index_cast %mul3A_194 : i32 to index
        %get3A_462 = tpu.vector_load %arg7[%get3A_459, %get3A_460, %get3A_461] {strides = array<i32>} : memref<2x32x1024xf32, #tpu.memory_space<vmem>>, vector<1x1x16xf32>,
        %get3A_463 = vector.shape_cast %get3A_462 : vector<1x1x16xf32> to vector<16xf32>
        %mul3A_464 = arith.mulf %get3A_463, %get3A_42 : vector<16xf32>
        %add3A_465 = arith.addf %add3A_456, %mul3A_464 : vector<16xf32>
        %get3A_466 = arith.constant 1 : i32
        %get3A_467 = arith.constant 28 : i32
        %get3A_468 = arith.index_cast %get3A_466 : i32 to index
        %get3A_469 = arith.index_cast %get3A_467 : i32 to index
        %get3A_470 = arith.index_cast %mul3A_194 : i32 to index
        %get3A_471 = tpu.vector_load %arg7[%get3A_468, %get3A_469, %get3A_470] {strides = array<i32>} : memref<2x32x1024xf32, #tpu.memory_space<vmem>>, vector<1x1x16xf32>,
        %get3A_472 = vector.shape_cast %get3A_471 : vector<1x1x16xf32> to vector<16xf32>
        %mul3A_473 = arith.mulf %get3A_472, %get3A_47 : vector<16xf32>
        %add3A_474 = arith.addf %add3A_465, %mul3A_473 : vector<16xf32>
        %get3A_475 = arith.constant 1 : i32
        %get3A_476 = arith.constant 29 : i32
        %get3A_477 = arith.index_cast %get3A_475 : i32 to index
        %get3A_478 = arith.index_cast %get3A_476 : i32 to index
        %get3A_479 = arith.index_cast %mul3A_194 : i32 to index
        %get3A_480 = tpu.vector_load %arg7[%get3A_477, %get3A_478, %get3A_479] {strides = array<i32>} : memref<2x32x1024xf32, #tpu.memory_space<vmem>>, vector<1x1x16xf32>,
        %get3A_481 = vector.shape_cast %get3A_480 : vector<1x1x16xf32> to vector<16xf32>
        %mul3A_482 = arith.mulf %get3A_481, %get3A_52 : vector<16xf32>
        %add3A_483 = arith.addf %add3A_474, %mul3A_482 : vector<16xf32>
        %get3A_484 = arith.constant 1 : i32
        %get3A_485 = arith.constant 30 : i32
        %get3A_486 = arith.index_cast %get3A_484 : i32 to index
        %get3A_487 = arith.index_cast %get3A_485 : i32 to index
        %get3A_488 = arith.index_cast %mul3A_194 : i32 to index
        %get3A_489 = tpu.vector_load %arg7[%get3A_486, %get3A_487, %get3A_488] {strides = array<i32>} : memref<2x32x1024xf32, #tpu.memory_space<vmem>>, vector<1x1x16xf32>,
        %get3A_490 = vector.shape_cast %get3A_489 : vector<1x1x16xf32> to vector<16xf32>
        %mul3A_491 = arith.mulf %get3A_490, %get3A_57 : vector<16xf32>
        %add3A_492 = arith.addf %add3A_483, %mul3A_491 : vector<16xf32>
        %get3A_493 = arith.constant 1 : i32
        %get3A_494 = arith.constant 31 : i32
        %get3A_495 = arith.index_cast %get3A_493 : i32 to index
        %get3A_496 = arith.index_cast %get3A_494 : i32 to index
        %get3A_497 = arith.index_cast %mul3A_194 : i32 to index
        %get3A_498 = tpu.vector_load %arg7[%get3A_495, %get3A_496, %get3A_497] {strides = array<i32>} : memref<2x32x1024xf32, #tpu.memory_space<vmem>>, vector<1x1x16xf32>,
        %get3A_499 = vector.shape_cast %get3A_498 : vector<1x1x16xf32> to vector<16xf32>
        %mul3A_500 = arith.mulf %get3A_499, %get3A_62 : vector<16xf32>
        %add3A_501 = arith.addf %add3A_492, %mul3A_500 : vector<16xf32>
        %swap3A_502 = arith.constant 1 : i32
        %swap3A_503 = arith.constant 3 : i32
        %swap3A_504 = arith.index_cast %swap3A_502 : i32 to index
        %swap3A_505 = arith.index_cast %swap3A_503 : i32 to index
        %swap3A_506 = arith.index_cast %mul3A_194 : i32 to index
        %swap3A_507 = tpu.vector_load %arg8[%swap3A_504, %swap3A_505, %swap3A_506] {strides = array<i32>} : memref<2x4x1024xf32, #tpu.memory_space<vmem>>, vector<1x1x16xf32>,
        %swap3A_508 = vector.shape_cast %swap3A_507 : vector<1x1x16xf32> to vector<16xf32>
        %swap3A_509 = vector.shape_cast %add3A_501 : vector<16xf32> to vector<1x1x16xf32>
        tpu.vector_store %arg8[%swap3A_504, %swap3A_505, %swap3A_506], %swap3A_509 {strides = array<i32>} : memref<2x4x1024xf32, #tpu.memory_space<vmem>>, vector<1x1x16xf32>,
      }
      %scan3A_168 = arith.constant 64 : i32
      %add3A_169 = arith.constant 2 : i32
      %add3A_170 = arith.addi %add3A_146, %add3A_169 : i32
      %lt3A_171 = arith.constant 128 : i32
      %lt3A_172 = arith.cmpi slt, %add3A_170, %lt3A_171 : i32
      %convert_element_type3A_173 = arith.extui %lt3A_172 : i1 to i32
      %cond3A_174 = arith.constant 0 : i32
      %cond3A_175 = arith.cmpi ne, %convert_element_type3A_173, %cond3A_174 : i32
      scf.if %cond3A_175 {
        %add3A_192 = arith.constant 2 : i32
        %add3A_193 = arith.addi %add3A_146, %add3A_192 : i32
        %mul3A_194 = arith.constant 32 : i32
        %mul3A_195 = arith.muli %add3A_193, %mul3A_194 : i32
        %dma_start3A_196 = arith.constant 1 : i32
        %dma_start3A_197 = arith.constant 0 : i32
        %dma_start3A_198 = arith.constant 0 : i32
        %dma_start3A_199 = tpu.memref_slice %arg7[%dma_start3A_196, %dma_start3A_197, %dma_start3A_198] : memref<2x32x1024xf32, #tpu.memory_space<vmem>> -> memref<1x32x1024xf32, #tpu.memory_space<vmem>>
        %dma_start3A_200 = tpu.memref_squeeze %dma_start3A_199 : memref<1x32x1024xf32, #tpu.memory_space<vmem>> -> memref<32x1024xf32, #tpu.memory_space<vmem>>
        %dma_start3A_201 = tpu.memref_slice %arg6[%mul3A_195] : memref<4096xi32, #tpu.memory_space<vmem>> -> memref<32xi32, #tpu.memory_space<vmem>>
        %dma_start3A_202 = arith.constant 0 : i32
        %dma_start3A_203 = arith.constant 0 : i32
        %dma_start3A_204 = tpu.memref_slice %arg2[%dma_start3A_202, %dma_start3A_203] : memref<32768x1024xf32, #tpu.memory_space<hbm>> -> memref<32768x1024xf32, #tpu.memory_space<hbm>>
        tpu.enqueue_indirect_dma source(%dma_start3A_204 : memref<32768x1024xf32, #tpu.memory_space<hbm>>) target(%dma_start3A_200 : memref<32x1024xf32, #tpu.memory_space<vmem>>) offsets(%dma_start3A_201 : memref<32xi32, #tpu.memory_space<vmem>>) semaphore(%arg11 : memref<!tpu.dma_semaphore, #tpu.memory_space<semaphore_mem>>)
      } else {
      }
      %mul3A_176 = arith.constant 4 : i32
      %mul3A_177 = arith.muli %add3A_146, %mul3A_176 : i32
      %add3A_178 = arith.addi %mul3A_2, %mul3A_177 : i32
      %dma_start3A_179 = arith.constant 1 : i32
      %dma_start3A_180 = arith.constant 0 : i32
      %dma_start3A_181 = arith.constant 0 : i32
      %dma_start3A_182 = tpu.memref_slice %arg8[%dma_start3A_179, %dma_start3A_180, %dma_start3A_181] : memref<2x4x1024xf32, #tpu.memory_space<vmem>> -> memref<1x4x1024xf32, #tpu.memory_space<vmem>>
      %dma_start3A_183 = tpu.memref_squeeze %dma_start3A_182 : memref<1x4x1024xf32, #tpu.memory_space<vmem>> -> memref<4x1024xf32, #tpu.memory_space<vmem>>
      %dma_start3A_184 = arith.constant 0 : i32
      %dma_start3A_185 = tpu.memref_slice %arg5[%add3A_178, %dma_start3A_184] : memref<16384x1024xf32, #tpu.memory_space<hbm>> -> memref<4x1024xf32, #tpu.memory_space<hbm>>
      %dma_start3A_186 = arith.constant 0 : i32
      %dma_start3A_187 = tpu.memref_slice %arg5[%add3A_178, %dma_start3A_186] : memref<16384x1024xf32, #tpu.memory_space<hbm>> -> memref<4x1024xf32, #tpu.memory_space<hbm>>
      %dma_start3A_188 = arith.constant 0 : i32
      %dma_start3A_189 = arith.constant 0 : i32
      %dma_start3A_190 = tpu.memref_slice %arg8[%dma_start3A_179, %dma_start3A_188, %dma_start3A_189] : memref<2x4x1024xf32, #tpu.memory_space<vmem>> -> memref<1x4x1024xf32, #tpu.memory_space<vmem>>
      %dma_start3A_191 = tpu.memref_squeeze %dma_start3A_190 : memref<1x4x1024xf32, #tpu.memory_space<vmem>> -> memref<4x1024xf32, #tpu.memory_space<vmem>>
      tpu.enqueue_dma source(%dma_start3A_191 : memref<4x1024xf32, #tpu.memory_space<vmem>>) target(%dma_start3A_187 : memref<4x1024xf32, #tpu.memory_space<hbm>>) target_semaphore(%arg13 : memref<!tpu.dma_semaphore, #tpu.memory_space<semaphore_mem>>)
    }
    %scan3A_67 = arith.constant 64 : i32
    %add3A_68 = arith.constant 504 : i32
    %add3A_69 = arith.addi %mul3A_2, %add3A_68 : i32
    %dma_wait3A = arith.constant 0 : i32
    %dma_wait3A_70 = arith.constant 0 : i32
    %dma_wait3A_71 = arith.constant 0 : i32
    %dma_wait3A_72 = tpu.memref_slice %arg8[%dma_wait3A, %dma_wait3A_70, %dma_wait3A_71] : memref<2x4x1024xf32, #tpu.memory_space<vmem>> -> memref<1x4x1024xf32, #tpu.memory_space<vmem>>
    %dma_wait3A_73 = tpu.memref_squeeze %dma_wait3A_72 : memref<1x4x1024xf32, #tpu.memory_space<vmem>> -> memref<4x1024xf32, #tpu.memory_space<vmem>>
    %dma_wait3A_74 = arith.constant 0 : i32
    %dma_wait3A_75 = tpu.memref_slice %arg5[%add3A_69, %dma_wait3A_74] : memref<16384x1024xf32, #tpu.memory_space<hbm>> -> memref<4x1024xf32, #tpu.memory_space<hbm>>
    %dma_wait3A_76 = arith.constant 0 : i32
    %dma_wait3A_77 = tpu.memref_slice %arg5[%add3A_69, %dma_wait3A_76] : memref<16384x1024xf32, #tpu.memory_space<hbm>> -> memref<4x1024xf32, #tpu.memory_space<hbm>>
    %dma_wait3A_78 = arith.constant 0 : i32
    %dma_wait3A_79 = arith.constant 0 : i32
    %dma_wait3A_80 = tpu.memref_slice %arg8[%dma_wait3A, %dma_wait3A_78, %dma_wait3A_79] : memref<2x4x1024xf32, #tpu.memory_space<vmem>> -> memref<1x4x1024xf32, #tpu.memory_space<vmem>>
    %dma_wait3A_81 = tpu.memref_squeeze %dma_wait3A_80 : memref<1x4x1024xf32, #tpu.memory_space<vmem>> -> memref<4x1024xf32, #tpu.memory_space<vmem>>
    tpu.wait_dma2 semaphore(%arg12 : memref<!tpu.dma_semaphore, #tpu.memory_space<semaphore_mem>>) src(%dma_wait3A_81 : memref<4x1024xf32, #tpu.memory_space<vmem>>) dst(%dma_wait3A_77 : memref<4x1024xf32, #tpu.memory_space<hbm>>)
    %add3A_82 = arith.constant 508 : i32
    %add3A_83 = arith.addi %mul3A_2, %add3A_82 : i32
    %dma_wait3A_84 = arith.constant 1 : i32
    %dma_wait3A_85 = arith.constant 0 : i32
    %dma_wait3A_86 = arith.constant 0 : i32
    %dma_wait3A_87 = tpu.memref_slice %arg8[%dma_wait3A_84, %dma_wait3A_85, %dma_wait3A_86] : memref<2x4x1024xf32, #tpu.memory_space<vmem>> -> memref<1x4x1024xf32, #tpu.memory_space<vmem>>
    %dma_wait3A_88 = tpu.memref_squeeze %dma_wait3A_87 : memref<1x4x1024xf32, #tpu.memory_space<vmem>> -> memref<4x1024xf32, #tpu.memory_space<vmem>>
    %dma_wait3A_89 = arith.constant 0 : i32
    %dma_wait3A_90 = tpu.memref_slice %arg5[%add3A_83, %dma_wait3A_89] : memref<16384x1024xf32, #tpu.memory_space<hbm>> -> memref<4x1024xf32, #tpu.memory_space<hbm>>
    %dma_wait3A_91 = arith.constant 0 : i32
    %dma_wait3A_92 = tpu.memref_slice %arg5[%add3A_83, %dma_wait3A_91] : memref<16384x1024xf32, #tpu.memory_space<hbm>> -> memref<4x1024xf32, #tpu.memory_space<hbm>>
    %dma_wait3A_93 = arith.constant 0 : i32
    %dma_wait3A_94 = arith.constant 0 : i32
    %dma_wait3A_95 = tpu.memref_slice %arg8[%dma_wait3A_84, %dma_wait3A_93, %dma_wait3A_94] : memref<2x4x1024xf32, #tpu.memory_space<vmem>> -> memref<1x4x1024xf32, #tpu.memory_space<vmem>>
    %dma_wait3A_96 = tpu.memref_squeeze %dma_wait3A_95 : memref<1x4x1024xf32, #tpu.memory_space<vmem>> -> memref<4x1024xf32, #tpu.memory_space<vmem>>
    tpu.wait_dma2 semaphore(%arg13 : memref<!tpu.dma_semaphore, #tpu.memory_space<semaphore_mem>>) src(%dma_wait3A_96 : memref<4x1024xf32, #tpu.memory_space<vmem>>) dst(%dma_wait3A_92 : memref<4x1024xf32, #tpu.memory_space<hbm>>)
    return
  }
}

module attributes {stable_mosaic.version = 14 : i64} {
  func.func @body(%arg0: i32, %arg1: memref<512x1024xf32, #tpu.memory_space<vmem>>, %arg2: memref<1024x1024xf32, #tpu.memory_space<vmem>>, %arg3: memref<1x1024xf32, #tpu.memory_space<vmem>>, %arg4: memref<1x1024xf32, #tpu.memory_space<vmem>>, %arg5: memref<1x1024xf32, #tpu.memory_space<vmem>>, %arg6: memref<512x1024xf32, #tpu.memory_space<vmem>>) attributes {dimension_semantics = [#tpu.dimension_semantics<arbitrary>], iteration_bounds = array<i64: 32>, scalar_prefetch = 0 : i64, scratch_operands = 0 : i64, tpu.core_type = #tpu.core_type<tc>, window_params = [{transform_indices = @transform_0, window_bounds = array<i64: 512, 1024>}, {pipeline_mode = #tpu.pipeline_mode<synchronous>, transform_indices = @transform_1, window_bounds = array<i64: 1024, 1024>}, {pipeline_mode = #tpu.pipeline_mode<synchronous>, transform_indices = @transform_2, window_bounds = array<i64: 1, 1024>}, {pipeline_mode = #tpu.pipeline_mode<synchronous>, transform_indices = @transform_3, window_bounds = array<i64: 1, 1024>}, {pipeline_mode = #tpu.pipeline_mode<synchronous>, transform_indices = @transform_4, window_bounds = array<i64: 1, 1024>}, {transform_indices = @transform_5, window_bounds = array<i64: 512, 1024>}]} {
    %get3A = arith.constant 0 : index
    %get3A_0 = arith.constant 0 : index
    %get3A_1 = vector.load %arg1[%get3A, %get3A_0] : memref<512x1024xf32, #tpu.memory_space<vmem>>, vector<512x1024xf32>
    %reduce_sum3A = arith.constant dense<0.000000e+00> : vector<512xf32>
    %reduce_sum3A_2 = vector.multi_reduction <add>, %get3A_1, %reduce_sum3A [1] : vector<512x1024xf32> to vector<512xf32>
    %broadcast_in_dim3A = vector.shape_cast %reduce_sum3A_2 : vector<512xf32> to vector<512x1xf32>
    %div3A = arith.constant 1.024000e+03 : f32
    %div3A_3 = vector.broadcast %div3A : f32 to vector<512x1xf32>
    %div3A_4 = arith.divf %broadcast_in_dim3A, %div3A_3 : vector<512x1xf32>
    %sub3A = vector.broadcast %div3A_4 : vector<512x1xf32> to vector<512x1024xf32>
    %sub3A_5 = arith.subf %get3A_1, %sub3A : vector<512x1024xf32>
    %mul3A = arith.mulf %sub3A_5, %sub3A_5 : vector<512x1024xf32>
    %reduce_sum3A_6 = arith.constant dense<0.000000e+00> : vector<512xf32>
    %reduce_sum3A_7 = vector.multi_reduction <add>, %mul3A, %reduce_sum3A_6 [1] : vector<512x1024xf32> to vector<512xf32>
    %broadcast_in_dim3A_8 = vector.shape_cast %reduce_sum3A_7 : vector<512xf32> to vector<512x1xf32>
    %div3A_9 = arith.constant 1.024000e+03 : f32
    %div3A_10 = vector.broadcast %div3A_9 : f32 to vector<512x1xf32>
    %div3A_11 = arith.divf %broadcast_in_dim3A_8, %div3A_10 : vector<512x1xf32>
    %add3A = arith.constant 9.99999974E-6 : f32
    %add3A_12 = vector.broadcast %add3A : f32 to vector<512x1xf32>
    %add3A_13 = arith.addf %div3A_11, %add3A_12 : vector<512x1xf32>
    %rsqrt3A = math.rsqrt %add3A_13 : vector<512x1xf32>
    %mul3A_14 = vector.broadcast %rsqrt3A : vector<512x1xf32> to vector<512x1024xf32>
    %mul3A_15 = arith.mulf %sub3A_5, %mul3A_14 : vector<512x1024xf32>
    %get3A_16 = arith.constant 0 : index
    %get3A_17 = arith.constant 0 : index
    %get3A_18 = vector.load %arg3[%get3A_16, %get3A_17] : memref<1x1024xf32, #tpu.memory_space<vmem>>, vector<1x1024xf32>
    %mul3A_19 = vector.broadcast %get3A_18 : vector<1x1024xf32> to vector<512x1024xf32>
    %mul3A_20 = arith.mulf %mul3A_15, %mul3A_19 : vector<512x1024xf32>
    %get3A_21 = arith.constant 0 : index
    %get3A_22 = arith.constant 0 : index
    %get3A_23 = vector.load %arg4[%get3A_21, %get3A_22] : memref<1x1024xf32, #tpu.memory_space<vmem>>, vector<1x1024xf32>
    %add3A_24 = vector.broadcast %get3A_23 : vector<1x1024xf32> to vector<512x1024xf32>
    %add3A_25 = arith.addf %mul3A_20, %add3A_24 : vector<512x1024xf32>
    %get3A_26 = arith.constant 0 : index
    %get3A_27 = arith.constant 0 : index
    %get3A_28 = vector.load %arg2[%get3A_26, %get3A_27] : memref<1024x1024xf32, #tpu.memory_space<vmem>>, vector<1024x1024xf32>
    %dot_general3A = arith.constant dense<0.000000e+00> : vector<512x1024xf32>
    %dot_general3A_29 = tpu.matmul %add3A_25, %get3A_28, %dot_general3A {dimension_numbers = #tpu.dot_dimension_numbers<[1], [1], [0], [0], [0, 0, 1, 0], [], []>, transpose_lhs_hint = false} : vector<512x1024xf32>, vector<1024x1024xf32>, vector<512x1024xf32> -> vector<512x1024xf32>
    %get3A_30 = arith.constant 0 : index
    %get3A_31 = arith.constant 0 : index
    %get3A_32 = vector.load %arg5[%get3A_30, %get3A_31] : memref<1x1024xf32, #tpu.memory_space<vmem>>, vector<1x1024xf32>
    %add3A_33 = vector.broadcast %get3A_32 : vector<1x1024xf32> to vector<512x1024xf32>
    %add3A_34 = arith.addf %dot_general3A_29, %add3A_33 : vector<512x1024xf32>
    %swap3A = arith.constant 0 : index
    %swap3A_35 = arith.constant 0 : index
    %swap3A_36 = vector.load %arg6[%swap3A, %swap3A_35] : memref<512x1024xf32, #tpu.memory_space<vmem>>, vector<512x1024xf32>
    tpu.vector_store %arg6[%swap3A, %swap3A_35], %add3A_34 {strides = array<i32>} : memref<512x1024xf32, #tpu.memory_space<vmem>>, vector<512x1024xf32>,
    return
  }
  func.func @transform_0(%arg0: i32) -> (i32, i32) {
    %c0_i32 = arith.constant 0 : i32
    %c0_i32_0 = arith.constant 0 : i32
    return %arg0, %c0_i32 : i32, i32
  }
  func.func @transform_1(%arg0: i32) -> (i32, i32) {
    %c0_i32 = arith.constant 0 : i32
    %c0_i32_0 = arith.constant 0 : i32
    %c0_i32_1 = arith.constant 0 : i32
    return %c0_i32, %c0_i32_0 : i32, i32
  }
  func.func @transform_2(%arg0: i32) -> (i32, i32) {
    %c0_i32 = arith.constant 0 : i32
    %c0_i32_0 = arith.constant 0 : i32
    %c0_i32_1 = arith.constant 0 : i32
    return %c0_i32, %c0_i32_0 : i32, i32
  }
  func.func @transform_3(%arg0: i32) -> (i32, i32) {
    %c0_i32 = arith.constant 0 : i32
    %c0_i32_0 = arith.constant 0 : i32
    %c0_i32_1 = arith.constant 0 : i32
    return %c0_i32, %c0_i32_0 : i32, i32
  }
  func.func @transform_4(%arg0: i32) -> (i32, i32) {
    %c0_i32 = arith.constant 0 : i32
    %c0_i32_0 = arith.constant 0 : i32
    %c0_i32_1 = arith.constant 0 : i32
    return %c0_i32, %c0_i32_0 : i32, i32
  }
  func.func @transform_5(%arg0: i32) -> (i32, i32) {
    %c0_i32 = arith.constant 0 : i32
    %c0_i32_0 = arith.constant 0 : i32
    return %arg0, %c0_i32 : i32, i32
  }
}

</mosaic_0001>

<sc_bundles>
// kernel: kernel.4.cloned.1.call-start
scs
__scs_entry_jumppad:
0x0: {  	(pc) =	sbr.rel $0x88, $3  }
0x1: {  	(tag) =	ssettag $0x0;
	lr =	simm.s32 $0x1  }
0x2: {  	[smem:$0x3F9A] =	sst lr;
	_ =	strace $0xD0000000  }
0x3: {  	_ = 	snop  }
0x4: {  	_ = 	snop  }
0x5: {  	_ = 	snop  }
0x6: {  	_ = 	snop  }
0x7: {  	_ = 	snop  }
__scs_overlays_trampoline_lowered:
0x8: {  	[smem:$0x3FA9] =	sst s0  }
0x9: {  	[smem:$0x3FAA] =	sst s1  }
0xa: {  	[smem:$0x3FAB] =	sst s2  }
0xb: {  	[smem:$0x3FAC] =	sst s3  }
0xc: {  	[smem:$0x3FAD] =	sst s4  }
0xd: {  	[smem:$0x3FAE] =	sst s5  }
0xe: {  	[smem:$0x3FAF] =	sst s6  }
0xf: {  	[smem:$0x3FB0] =	sst s7  }
0x10: {  	[smem:$0x3FB1] =	sst s8  }
0x11: {  	[smem:$0x3FB2] =	sst s9;
	s0 =	simm.s32 @!p0 $0x0  }
0x12: {  	s1 =	sld [smem:$0x3F98];
	s0 =	simm.s32 @p0 $0x1  }
0x13: {  	[smem:$0x3FB3] =	sst s0;
	s0 =	simm.s32 @!p1 $0x0  }
0x14: {  	s2 =	sld [smem:$0x3F97];
	s0 =	simm.s32 @p1 $0x1  }
0x15: {  	[smem:$0x3FB4] =	sst s0;
	s0 =	simm.s32 @!p2 $0x0  }
0x16: {  	s3 =	sld [smem:$0x3FDB];
	s0 =	simm.s32 @p2 $0x1  }
0x17: {  	s4 =	simm.s32 $0x1BF5;
	[smem:$0x3FB6] =	sst s0  }
0x18: {  	s0 =	sld [smem:$0x3F99];
	_ =	swait.ge [sflag:s4], $0x0  }
0x19: {  	s7 =	sld [smem:$0x3F9A]  }
0x1a: {  	s8 =	sadd.s32 $0xFFFFE003, lr  }
0x1b: {  	s9 =	sadd.s32 $0xFFFFFEF7, lr;
	s5 =	simm.s32 $0xFFFFFFFF;
	p2 =	slt.u32 s8, $0xFFFFF086  }
0x1c: {  	p1 =	slt.u32 s9, $0xF7A;
	s5 =	simm.s32 @!p2 $0x0  }
0x1d: {  	s5 =	simm.s32 @p1 $0x1;
	p0 =	seq.s32 s7, s2  }
0x1e: {  	s7 =	smul.u32 @!p0 $0xF7A, s2;
	p2 =	seq.s32 @!p0 s5, $0x0  }
0x1f: {  	s9 =	smul.u32 $0xF7A, s1;
	s8 =	simm.s32 @!p0 $0x1BF5;
	p2 =	por !p2, p0  }
0x20: {  	[sflag:s8] =	ssyncset.s32 @!p0 $0xFFFFF086;
	s6 =	sadd.s32 @!p0 s3, s7;
	s7 =	simm.s32 @!p0 $0x108  }
0x21: {  	s3 =	sadd.s32 s3, s9;
	s6 =	sadd.s32 @!p0 $0x88, s6;
	s7 =	simm.s32 @p2 $0x1082  }
0x22: {  	[simem:s7], [sflag:s8] =	dma.local @!p0 [hbm:s6], $0xF7A  }
0x23: {  	s9 =	sor.u32 $0xD0000000, s2;
	s6 =	simm.s32 $0x108;
	_ =	swait.ge @!p0 [sflag:s8], $0x0  }
0x24: {  	s3 =	sadd.s32 $0x88, s3;
	s6 =	simm.s32 @!p1 $0x1082;
	[sflag:s4] =	ssyncset.s32 $0xFFFFF086  }
0x25: {  	[simem:s6], [sflag:s4] =	dma.local [hbm:s3], $0xF7A  }
0x26: {  	[smem:$0x3F9A] =	sst s1;
	(tag) =	ssettag s2;
	_ =	strace s9  }
0x27: {  	s1 =	sld [smem:$0x3FAA]  }
0x28: {  	s2 =	sld [smem:$0x3FAB]  }
0x29: {  	s4 =	sld [smem:$0x3FAD]  }
0x2a: {  	p0 =	seq.s32 s5, $0x0;
	s5 =	sld [smem:$0x3FAE]  }
0x2b: {  	s6 =	sld [smem:$0x3FAF]  }
0x2c: {  	s7 =	sld [smem:$0x3FB0]  }
0x2d: {  	s3 =	simm.s32 $0x108;
	s8 =	sld [smem:$0x3FB1]  }
0x2e: {  	s3 =	simm.s32 @!p0 $0x1082;
	s9 =	sld [smem:$0x3FB2]  }
0x2f: {  	lr =	sadd.s32 s0, s3;
	s0 =	sld [smem:$0x3FA9]  }
0x30: {  	s3 =	sld [smem:$0x3FAC]  }
0x31: {  	[smem:$0x3FB5] =	sst s10  }
0x32: {  	s10 =	sld [smem:$0x3FB3];
	_ =	sdelay $0x3  }
0x33: {  	p0 =	seq.s32 s10, $0x1;
	s10 =	sld [smem:$0x3FB5];
	_ =	sdelay $0x3  }
0x34: {  	[smem:$0x3FB5] =	sst s10  }
0x35: {  	s10 =	sld [smem:$0x3FB4];
	_ =	sdelay $0x3  }
0x36: {  	p1 =	seq.s32 s10, $0x1;
	s10 =	sld [smem:$0x3FB5];
	_ =	sdelay $0x3  }
0x37: {  	[smem:$0x3FB5] =	sst s10  }
0x38: {  	s10 =	sld [smem:$0x3FB6]  }
0x39: {  	_ = 	snop;
	(pc) =	sbr.ind lr, $3  }
0x3a: {  	_ = 	snop  }
0x3b: {  	_ = 	snop  }
0x3c: {  	p2 =	seq.s32 s10, $0x1;
	s10 =	sld [smem:$0x3FB5]  }
0x3d: {  	_ =	shalt  }
0x3e: {  	_ =	shalt  }
0x3f: {  	_ =	shalt  }
0x40: {  	_ =	shalt  }
0x41: {  	_ =	shalt  }
0x42: {  	_ =	shalt  }
0x43: {  	_ =	shalt  }
0x44: {  	_ =	shalt  }
0x45: {  	_ =	shalt  }
0x46: {  	_ =	shalt  }
0x47: {  	_ =	shalt  }
0x48: {  	_ =	shalt  }
0x49: {  	_ =	shalt  }
0x4a: {  	_ =	shalt  }
0x4b: {  	_ =	shalt  }
0x4c: {  	_ =	shalt  }
0x4d: {  	_ =	shalt  }
0x4e: {  	_ =	shalt  }
0x4f: {  	_ =	shalt  }
0x50: {  	_ =	shalt  }
0x51: {  	_ =	shalt  }
0x52: {  	_ =	shalt  }
0x53: {  	_ =	shalt  }
0x54: {  	_ =	shalt  }
0x55: {  	_ =	shalt  }
0x56: {  	_ =	shalt  }
0x57: {  	_ =	shalt  }
0x58: {  	_ =	shalt  }
0x59: {  	_ =	shalt  }
0x5a: {  	_ =	shalt  }
0x5b: {  	_ =	shalt  }
0x5c: {  	_ =	shalt  }
0x5d: {  	_ =	shalt  }
0x5e: {  	_ =	shalt  }
0x5f: {  	_ =	shalt  }
0x60: {  	_ =	shalt  }
0x61: {  	_ =	shalt  }
0x62: {  	_ =	shalt  }
0x63: {  	_ =	shalt  }
0x64: {  	_ =	shalt  }
0x65: {  	_ =	shalt  }
0x66: {  	_ =	shalt  }
0x67: {  	_ =	shalt  }
0x68: {  	_ =	shalt  }
0x69: {  	_ =	shalt  }
0x6a: {  	_ =	shalt  }
0x6b: {  	_ =	shalt  }
0x6c: {  	_ =	shalt  }
0x6d: {  	_ =	shalt  }
0x6e: {  	_ =	shalt  }
0x6f: {  	_ =	shalt  }
0x70: {  	_ =	shalt  }
0x71: {  	_ =	shalt  }
0x72: {  	_ =	shalt  }
0x73: {  	_ =	shalt  }
0x74: {  	_ =	shalt  }
0x75: {  	_ =	shalt  }
0x76: {  	_ =	shalt  }
0x77: {  	_ =	shalt  }
0x78: {  	_ =	shalt  }
0x79: {  	_ =	shalt  }
0x7a: {  	_ =	shalt  }
0x7b: {  	_ =	shalt  }
0x7c: {  	_ =	shalt  }
0x7d: {  	_ =	shalt  }
0x7e: {  	_ =	shalt  }
0x7f: {  	_ =	shalt  }
0x80: {  	_ =	shalt  }
0x81: {  	_ =	shalt  }
0x82: {  	_ =	shalt  }
0x83: {  	_ =	shalt  }
0x84: {  	_ =	shalt  }
0x85: {  	_ =	shalt  }
0x86: {  	_ =	shalt  }
0x87: {  	_ =	shalt  }
.Lfunc_end0:
.L_simem_size_0:
called_computation_lowered:
.L_overlay_start_0:
0x88: {  	s2 =	sld [smem:$0x3FD9]  }
0x89: {  	s3 =	sld [smem:$0x3FFE];
	_ =	sdelay $0x1  }
0x8a: {  	s1 =	srdreg.scid  }
0x8b: {  	s0 =	sand.u32 $0x1, s1  }
0x8c: {  	s17 =	sshll.u32 s0, $0xA;
	s2 =	sadd.s32 s3, s2  }
0x8d: {  	s2 =	sadd.s32 s2, s17  }
0x8e: {  	[smem:$0x3FC1] =	sst s2  }
0x8f: {  	_ = 	snop  }
0x90: {  	s2 =	sld [smem:$0x3FC8]  }
0x91: {  	s18 =	sld [smem:$0x3FD0];
	(tm) =	ssettm $0x1  }
0x92: {  	s4 =	sld [smem:$0x3FFB];
	_ =	sdelay $0x3  }
0x93: {  	_ =	strace s4  }
0x94: {  	s4 =	sld [smem:$0x3FFC];
	_ =	sdelay $0x3  }
0x95: {  	_ =	strace s4  }
0x96: {  	s4 =	sld [smem:$0x3FFD];
	_ =	sdelay $0x3  }
0x97: {  	_ =	strace s4  }
0x98: {  	_ =	strace $0x8FFFFFFF  }
0x99: {  	s19 =	sld [smem:$0x3FDB];
	_ =	sdelay $0x1  }
0x9a: {  	s5 =	simm.s32 $_scs_section_size  }
0x9b: {  	s6 =	simm.s32 $_size__tile_overlayer_lowered;
	s7 =	simm.s32 $_tile_overlayer_lowered  }
0x9c: {  	s22 =	simm.s32 $0x1BFF;
	s21 =	sshll.u32 s7, $0x1;
	s4 =	sadd.s32 s5, s19  }
0x9d: {  	s8 =	simm.s32 $0x0;
	s20 =	sshll.u32 s6, $0x1;
	s6 =	sadd.s32 s21, s4  }
0x9e: {  	[timem:s8], [sflag:s22] =	dma.local [hbm:s6], s20  }
0x9f: {  	_ =	swait.ge [sflag:s22], s20  }
0xa0: {  	s5 =	ssub.s32 $0x0, s20;
	[sflag:s22] =	ssyncset.done $0x0  }
0xa1: {  	[sflag:s22] =	ssyncadd.s32 s5;
	_ =	sdelay $0x1  }
0xa2: {  	s23 =	simm.s32 $0x1B8B  }
0xa3: {  	_ =	swait.ge [sflag:s23], $0x1  }
0xa4: {  	[sflag:s23] =	ssyncset.done $0x0  }
0xa5: {  	s25 =	simm.s32 $0x1B8E;
	s24 =	sld [smem:$0x3FFE];
	[sflag:s23] =	ssyncadd.s32 $0xFFFFFFFF  }
0xa6: {  	s26 =	simm.s32 $execute0_lowered;
	[smem:$0x3FD2] =	sst s25  }
0xa7: {  	s6 =	sshll.u32 s26, $0x1;
	_ =	strace $0x80000046;
	[dreg:$0x1] =	wrdreg $0xFFFFFFFF  }
0xa8: {  	s28 =	simm.s32 $_size_execute0_lowered;
	s4 =	sadd.s32 s4, s6;
	[dreg:$0x0] =	wrdreg $0x0  }
0xa9: {  	s6 =	sshll.u32 s28, $0x1;
	[dreg:$0x2] =	wrdreg s4  }
0xaa: {  	[dreg:$0x3] =	wrdreg s6  }
0xab: {  	[dreg:$0x4] =	wrdreg $0xC0  }
0xac: {  	_ =	task [dreg:s8], $0x5FFFF  }
0xad: {  	[dreg:$0x1] =	wrdreg $0xFFFFFFFF  }
0xae: {  	[dreg:$0x0] =	wrdreg $0x60  }
0xaf: {  	[dreg:$0x2] =	wrdreg s2  }
0xb0: {  	[dreg:$0x3] =	wrdreg s18  }
0xb1: {  	[dreg:$0x4] =	wrdreg s24  }
0xb2: {  	[dreg:$0x5] =	wrdreg $0x9  }
0xb3: {  	_ =	task.clear_ibuf [dreg:s8], $0x6FFFF;
	_ =	strace $0x90000046  }
0xb4: {  	s29 =	simm.s32 $0x9;
	_ =	strace $0x80000048  }
0xb5: {  	_ =	swait.ge [sflag:s29], $0x1  }
0xb6: {  	[sflag:s29] =	ssyncadd.s32 $0xFFFFFFFF  }
0xb7: {  	_ =	strace $0x90000048  }
0xb8: {  	_ =	sfence  }
0xb9: {  	s30 =	sld [smem:$0x0];
	_ =	sdelay $0x2  }
0xba: {  	s31 =	sshll.u32 s1, $0xD;
	s1 =	sshrl.u32 s1, $0x2  }
0xbb: {  	s3 =	sand.u32 $0x4000, s31;
	s1 =	sadd.s32 s1, s30  }
0xbc: {  	s0 =	sor.u32 s3, s0;
	s1 =	sshll.u32 s1, $0x11  }
0xbd: {  	s0 =	sor.u32 s1, s0  }
0xbe: {  	s0 =	sadd.s32 $0x8F2B, s0  }
0xbf: {  	[sflag:s0] =	ssyncadd.remote.s32 $0x1  }
0xc0: {  	_ =	sfence.sel $0xFFFF  }
0xc1: {  	[dreg:$0x0] =	wrdreg $0xFFFFFFFF;
	(pc) =	sbr.abs _section_cstart, $3  }
0xc2: {  	[dreg:$0x1] =	wrdreg $0xFFFFFFFF  }
0xc3: {  	_ =	task.clear_ibuf [dreg:s8], $0x2FFFF;
	_ =	strace $0x9FFFFFFF  }
0xc4: {  	(tm) =	ssettm $0x7FFFFFFF  }
0xc5: {  	_ =	shalt  }
tec
execute0_lowered:
.L_overlay_start_1:
0x0: {  	(tag) =	ssettag $0x1  }
0x1: {  	s1 =	rddreg [dreg:$0x0]  }
0x2: {  	s0 =	rddreg [dreg:$0x1]  }
0x3: {  	s2 =	rddreg [dreg:$0x2]  }
0x4: {  	s3 =	simm.s32 $0x0;
	s4 =	srdreg.scid;
	s5 =	stileid.u32  }
0x5: {  	s14 =	simm.s32 $0x5;
	s29 =	simm.s32 $0x1;
	s30 =	simm.s32 $0x200  }
0x6: {  	s31 =	simm.s32 $0x400;
	s13 =	simm.s32 $0x12000;
	s15 =	simm.s32 $0x3  }
0x7: {  	s16 =	simm.s32 $0x4;
	s17 =	simm.s32 $0x0;
	[smem:$0x7FF] =	sst s3  }
0x8: {  	s4 =	sand.u32 $0x1, s4;
	s5 =	sshll.u32 s5, $0x1;
	s6 =	sadd.s32 $0xC00, s2  }
0x9: {  	s9 =	sadd.s32 $0x200, s1;
	s10 =	sadd.s32 $0x300, s1;
	s11 =	sadd.s32 $0xE40, s2  }
0xa: {  	_ =	strace $0x80000047;
	[dreg:$0x4] =	wrdreg s6;
	s28 =	ssub.s32 $0x2, s4  }
0xb: {  	s4 =	sor.u32 s4, s5;
	s5 =	sadd.s32 $0xE00, s2;
	s2 =	simm.s32 $0x2  }
0xc: {  	v2 =	vlaneseq.u32;
	s7 =	sshrl.u32 s28, $0x1;
	s8 =	sshll.u32 s4, $0x9;
	s6 =	sshll.u32 s4, $0x10  }
0xd: {  	vm0 =	vmmov $0xffff;
	v1 =	vshrl.u32 v2, $0x3;
	s12 =	ssub.s32 s28, s7;
	s0 =	sadd.s32 s0, s8;
	s8 =	sadd.s32 $0x100, s1  }
0xe: {  	v0 =	vand.u32 $0x7, v2;
	v2 =	vor.u32 $0x8, v2;
	v1 =	vmul.u32 $0x8, v1;
	[dreg:$0x5] =	wrdreg s0;
	s12 =	smax.u32 s12, $0x1;
	s0 =	simm.s32 $0x11000  }
.LBB2_1:
0xf: {  	s4 =	rddreg [dreg:$0x4];
	s7 =	simm.s32 $0x13000  }
0x10: {  	[tilespmem:s7], [sflag:$0x5] =	stream.linear.gather [hbm4b:s4+s3], $0x400, $0x38;
	[tilespmem:$0x13400] =	vst v63  }
0x11: {  	_ =	swait.ge [sflag:s14], $0x400  }
0x12: {  	[sflag:s14] =	ssyncset.done $0x0  }
0x13: {  	s7 =	rddreg [dreg:$0x5];
	[sflag:s14] =	ssyncadd.s32 $0xFFFFFC00  }
0x14: {  	[tilespmem:s3], [sflag:$0x5] =	stream.linear.gather [hbm4b:s7+s3], $0x1000, $0x38;
	[tilespmem:$0x13400] =	vst v63  }
0x15: {  	_ =	swait.ge [sflag:s14], $0x1000  }
0x16: {  	[sflag:s14] =	ssyncset.done $0x0  }
0x17: {  	[sflag:s14] =	ssyncadd.s32 $0xFFFFF000  }
0x18: {  	v3 =	vld [tilespmem:$0x0];
	_ =	sdelay $0x4  }
0x19: {  	v4 =	vshll.u32 v3, $0x3  }
0x1a: {  	v3 =	vand.u32 $0x7, v3;
	v4 =	vand.u32 $0xFFFFFFC0, v4  }
0x1b: {  	v3 =	vor.u32 v3, v4  }
0x1c: {  	v4 =	vperm.xlane v3, v0;
	_ =	sdelay $0x1  }
0x1d: {  	v4 =	vadd.s32 v1, v4;
	_ =	sdelay $0x3  }
0x1e: {  	s18 =	simm.s32 $0x1000  }
0x1f: {  	[tilespmem:s18], [sflag:$0x1] =	stream.indirect_vreg.gather [hbm4b:s1+s3], $0x80, v4, vm0, $0xb8;
	[tilespmem:$0x13400] =	vst v63  }
0x20: {  	s19 =	simm.s32 $0x1800;
	v3 =	vperm.xlane v3, v2  }
0x21: {  	[tilespmem:s19], [sflag:$0x1] =	stream.indirect_vreg.gather [hbm4b:s8+s3], $0x80, v4, vm0, $0xb8;
	[tilespmem:$0x13400] =	vst v63  }
0x22: {  	s20 =	simm.s32 $0x2000;
	v3 =	vadd.s32 v1, v3  }
0x23: {  	[tilespmem:s20], [sflag:$0x1] =	stream.indirect_vreg.gather [hbm4b:s9+s3], $0x80, v4, vm0, $0xb8;
	[tilespmem:$0x13400] =	vst v63  }
0x24: {  	s21 =	simm.s32 $0x2800  }
0x25: {  	[tilespmem:s21], [sflag:$0x1] =	stream.indirect_vreg.gather [hbm4b:s10+s3], $0x80, v4, vm0, $0xb8;
	[tilespmem:$0x13400] =	vst v63  }
0x26: {  	s22 =	simm.s32 $0x3000  }
0x27: {  	[tilespmem:s22], [sflag:$0x1] =	stream.indirect_vreg.gather [hbm4b:s1+s3], $0x80, v3, vm0, $0xb8;
	[tilespmem:$0x13400] =	vst v63  }
0x28: {  	s23 =	simm.s32 $0x3800  }
0x29: {  	[tilespmem:s23], [sflag:$0x1] =	stream.indirect_vreg.gather [hbm4b:s8+s3], $0x80, v3, vm0, $0xb8;
	[tilespmem:$0x13400] =	vst v63  }
0x2a: {  	s24 =	simm.s32 $0x4000  }
0x2b: {  	[tilespmem:s24], [sflag:$0x1] =	stream.indirect_vreg.gather [hbm4b:s9+s3], $0x80, v3, vm0, $0xb8;
	[tilespmem:$0x13400] =	vst v63  }
0x2c: {  	s25 =	simm.s32 $0x4800  }
0x2d: {  	[tilespmem:s25], [sflag:$0x1] =	stream.indirect_vreg.gather [hbm4b:s10+s3], $0x80, v3, vm0, $0xb8;
	[tilespmem:$0x13400] =	vst v63  }
0x2e: {  	v3 =	vld [tilespmem:$0x10];
	_ =	sdelay $0x4  }
0x2f: {  	v4 =	vshll.u32 v3, $0x3  }
0x30: {  	v3 =	vand.u32 $0x7, v3;
	v4 =	vand.u32 $0xFFFFFFC0, v4  }
0x31: {  	v3 =	vor.u32 v3, v4  }
0x32: {  	v4 =	vperm.xlane v3, v0;
	_ =	sdelay $0x1  }
0x33: {  	v4 =	vadd.s32 v1, v4;
	_ =	sdelay $0x3  }
0x34: {  	s26 =	simm.s32 $0x5000  }
0x35: {  	[tilespmem:s26], [sflag:$0x1] =	stream.indirect_vreg.gather [hbm4b:s1+s3], $0x80, v4, vm0, $0xb8;
	[tilespmem:$0x13400] =	vst v63  }
0x36: {  	s28 =	simm.s32 $0x5800;
	v3 =	vperm.xlane v3, v2  }
0x37: {  	[tilespmem:s28], [sflag:$0x1] =	stream.indirect_vreg.gather [hbm4b:s8+s3], $0x80, v4, vm0, $0xb8;
	[tilespmem:$0x13400] =	vst v63  }
0x38: {  	s7 =	simm.s32 $0x6000;
	v3 =	vadd.s32 v1, v3  }
0x39: {  	[tilespmem:s7], [sflag:$0x1] =	stream.indirect_vreg.gather [hbm4b:s9+s3], $0x80, v4, vm0, $0xb8;
	[tilespmem:$0x13400] =	vst v63  }
0x3a: {  	s18 =	simm.s32 $0x6800  }
0x3b: {  	[tilespmem:s18], [sflag:$0x1] =	stream.indirect_vreg.gather [hbm4b:s10+s3], $0x80, v4, vm0, $0xb8;
	[tilespmem:$0x13400] =	vst v63  }
0x3c: {  	s19 =	simm.s32 $0x7000  }
0x3d: {  	[tilespmem:s19], [sflag:$0x1] =	stream.indirect_vreg.gather [hbm4b:s1+s3], $0x80, v3, vm0, $0xb8;
	[tilespmem:$0x13400] =	vst v63  }
0x3e: {  	s20 =	simm.s32 $0x7800  }
0x3f: {  	[tilespmem:s20], [sflag:$0x1] =	stream.indirect_vreg.gather [hbm4b:s8+s3], $0x80, v3, vm0, $0xb8;
	[tilespmem:$0x13400] =	vst v63  }
0x40: {  	s21 =	simm.s32 $0x8000  }
0x41: {  	[tilespmem:s21], [sflag:$0x1] =	stream.indirect_vreg.gather [hbm4b:s9+s3], $0x80, v3, vm0, $0xb8;
	[tilespmem:$0x13400] =	vst v63  }
0x42: {  	s22 =	simm.s32 $0x8800  }
0x43: {  	[tilespmem:s22], [sflag:$0x1] =	stream.indirect_vreg.gather [hbm4b:s10+s3], $0x80, v3, vm0, $0xb8;
	[tilespmem:$0x13400] =	vst v63  }
0x44: {  	v3 =	vld [tilespmem:$0x20];
	_ =	sdelay $0x4  }
0x45: {  	v4 =	vshll.u32 v3, $0x3  }
0x46: {  	v3 =	vand.u32 $0x7, v3;
	v4 =	vand.u32 $0xFFFFFFC0, v4  }
0x47: {  	v3 =	vor.u32 v3, v4  }
0x48: {  	v4 =	vperm.xlane v3, v0;
	_ =	sdelay $0x1  }
0x49: {  	v4 =	vadd.s32 v1, v4;
	_ =	sdelay $0x3  }
0x4a: {  	s23 =	simm.s32 $0x9000  }
0x4b: {  	[tilespmem:s23], [sflag:$0x2] =	stream.indirect_vreg.gather [hbm4b:s1+s3], $0x80, v4, vm0, $0xb8;
	[tilespmem:$0x13400] =	vst v63  }
0x4c: {  	s24 =	simm.s32 $0x9800;
	v3 =	vperm.xlane v3, v2  }
0x4d: {  	[tilespmem:s24], [sflag:$0x2] =	stream.indirect_vreg.gather [hbm4b:s8+s3], $0x80, v4, vm0, $0xb8;
	[tilespmem:$0x13400] =	vst v63  }
0x4e: {  	s25 =	simm.s32 $0xA000;
	v3 =	vadd.s32 v1, v3  }
0x4f: {  	[tilespmem:s25], [sflag:$0x2] =	stream.indirect_vreg.gather [hbm4b:s9+s3], $0x80, v4, vm0, $0xb8;
	[tilespmem:$0x13400] =	vst v63  }
0x50: {  	s26 =	simm.s32 $0xA800  }
0x51: {  	[tilespmem:s26], [sflag:$0x2] =	stream.indirect_vreg.gather [hbm4b:s10+s3], $0x80, v4, vm0, $0xb8;
	[tilespmem:$0x13400] =	vst v63  }
0x52: {  	s28 =	simm.s32 $0xB000  }
0x53: {  	[tilespmem:s28], [sflag:$0x2] =	stream.indirect_vreg.gather [hbm4b:s1+s3], $0x80, v3, vm0, $0xb8;
	[tilespmem:$0x13400] =	vst v63  }
0x54: {  	s7 =	simm.s32 $0xB800  }
0x55: {  	[tilespmem:s7], [sflag:$0x2] =	stream.indirect_vreg.gather [hbm4b:s8+s3], $0x80, v3, vm0, $0xb8;
	[tilespmem:$0x13400] =	vst v63  }
0x56: {  	s18 =	simm.s32 $0xC000  }
0x57: {  	[tilespmem:s18], [sflag:$0x2] =	stream.indirect_vreg.gather [hbm4b:s9+s3], $0x80, v3, vm0, $0xb8;
	[tilespmem:$0x13400] =	vst v63  }
0x58: {  	s19 =	simm.s32 $0xC800  }
0x59: {  	[tilespmem:s19], [sflag:$0x2] =	stream.indirect_vreg.gather [hbm4b:s10+s3], $0x80, v3, vm0, $0xb8;
	[tilespmem:$0x13400] =	vst v63  }
0x5a: {  	v3 =	vld [tilespmem:$0x30];
	_ =	sdelay $0x4  }
0x5b: {  	v4 =	vshll.u32 v3, $0x3  }
0x5c: {  	v3 =	vand.u32 $0x7, v3;
	v4 =	vand.u32 $0xFFFFFFC0, v4  }
0x5d: {  	v3 =	vor.u32 v3, v4  }
0x5e: {  	v4 =	vperm.xlane v3, v0;
	_ =	sdelay $0x1  }
0x5f: {  	v4 =	vadd.s32 v1, v4;
	_ =	sdelay $0x3  }
0x60: {  	s20 =	simm.s32 $0xD000  }
0x61: {  	[tilespmem:s20], [sflag:$0x2] =	stream.indirect_vreg.gather [hbm4b:s1+s3], $0x80, v4, vm0, $0xb8;
	[tilespmem:$0x13400] =	vst v63  }
0x62: {  	s21 =	simm.s32 $0xD800;
	v3 =	vperm.xlane v3, v2  }
0x63: {  	[tilespmem:s21], [sflag:$0x2] =	stream.indirect_vreg.gather [hbm4b:s8+s3], $0x80, v4, vm0, $0xb8;
	[tilespmem:$0x13400] =	vst v63  }
0x64: {  	s22 =	simm.s32 $0xE000;
	v3 =	vadd.s32 v1, v3  }
0x65: {  	[tilespmem:s22], [sflag:$0x2] =	stream.indirect_vreg.gather [hbm4b:s9+s3], $0x80, v4, vm0, $0xb8;
	[tilespmem:$0x13400] =	vst v63  }
0x66: {  	s23 =	simm.s32 $0xE800  }
0x67: {  	[tilespmem:s23], [sflag:$0x2] =	stream.indirect_vreg.gather [hbm4b:s10+s3], $0x80, v4, vm0, $0xb8;
	[tilespmem:$0x13400] =	vst v63  }
0x68: {  	s24 =	simm.s32 $0xF000  }
0x69: {  	[tilespmem:s24], [sflag:$0x2] =	stream.indirect_vreg.gather [hbm4b:s1+s3], $0x80, v3, vm0, $0xb8;
	[tilespmem:$0x13400] =	vst v63  }
0x6a: {  	s25 =	simm.s32 $0xF800  }
0x6b: {  	[tilespmem:s25], [sflag:$0x2] =	stream.indirect_vreg.gather [hbm4b:s8+s3], $0x80, v3, vm0, $0xb8;
	[tilespmem:$0x13400] =	vst v63  }
0x6c: {  	s26 =	simm.s32 $0x10000  }
0x6d: {  	[tilespmem:s26], [sflag:$0x2] =	stream.indirect_vreg.gather [hbm4b:s9+s3], $0x80, v3, vm0, $0xb8;
	[tilespmem:$0x13400] =	vst v63  }
0x6e: {  	s28 =	simm.s32 $0x10800  }
0x6f: {  	[tilespmem:s28], [sflag:$0x2] =	stream.indirect_vreg.gather [hbm4b:s10+s3], $0x80, v3, vm0, $0xb8;
	[tilespmem:$0x13400] =	vst v63  }
0x70: {  	v3 =	vld [tilespmem:$0x13000]  }
0x71: {  	v4 =	vld [tilespmem:$0x13080]  }
0x72: {  	v5 =	vld [tilespmem:$0x13100]  }
0x73: {  	v6 =	vld [tilespmem:$0x13180]  }
0x74: {  	v7 =	vld [tilespmem:$0x13200]  }
0x75: {  	v8 =	vld [tilespmem:$0x13280]  }
0x76: {  	v9 =	vld [tilespmem:$0x13300]  }
0x77: {  	s18 =	simm.s32 $0x0;
	v10 =	vld [tilespmem:$0x13380]  }
.LBB2_2:
0x78: {  	_ =	swait.ge [sflag:s29], $0x8000  }
0x79: {  	p0 =	seq.s32 s18, $0x0;
	[sflag:s29] =	ssyncset.done $0x0  }
0x7a: {  	s4 =	simm.s32 @!p0 $0x3;
	[sflag:s29] =	ssyncadd.s32 $0xFFFF8000  }
0x7b: {  	s19 =	simm.s32 $0x0;
	s20 =	simm.s32 $0x0;
	_ =	swait.ge @!p0 [sflag:s4], $0x1000  }
0x7c: {  	s19 =	sand.u32 $0x70, s19;
	s20 =	sand.u32 $0x3FFFFC00, s20;
	[sflag:s4] =	ssyncset.done @!p0 $0x0  }
0x7d: {  	s21 =	sor.u32 s19, s20;
	[sflag:s4] =	ssyncadd.s32 @!p0 $0xFFFFF000  }
0x7e: {  	v11 =	vld [tilespmem:s21+$0x1000]  }
0x7f: {  	v12 =	vld [tilespmem:s21+$0x1080];
	_ =	sdelay $0x1  }
0x80: {  	v13 =	vld [tilespmem:s21+$0x1100];
	_ =	sdelay $0x1  }
0x81: {  	v14 =	vld [tilespmem:s21+$0x1180]  }
0x82: {  	v11 =	vmul.f32 v11, v3;
	v12 =	vmul.f32 v12, v4  }
0x83: {  	v15 =	vld [tilespmem:s21+$0x1200]  }
0x84: {  	v11 =	vadd.f32 v12, v11;
	v12 =	vmul.f32 v13, v5  }
0x85: {  	v13 =	vld [tilespmem:s21+$0x1280]  }
0x86: {  	v11 =	vadd.f32 v12, v11;
	v12 =	vmul.f32 v14, v6  }
0x87: {  	v14 =	vld [tilespmem:s21+$0x1300]  }
0x88: {  	v11 =	vadd.f32 v12, v11;
	v12 =	vmul.f32 v15, v7  }
0x89: {  	v15 =	vld [tilespmem:s21+$0x1380]  }
0x8a: {  	v11 =	vadd.f32 v12, v11;
	v12 =	vmul.f32 v13, v8;
	_ =	sdelay $0x1  }
0x8b: {  	v11 =	vadd.f32 v12, v11;
	v12 =	vmul.f32 v14, v9;
	_ =	sdelay $0x1  }
0x8c: {  	v11 =	vadd.f32 v12, v11;
	v12 =	vmul.f32 v15, v10  }
0x8d: {  	s26 =	simm.s32 $0x0  }
0x8e: {  	s4 =	sand.u32 $0x3FFFFE00, s26;
	v11 =	vadd.f32 v12, v11  }
0x8f: {  	s4 =	sor.u32 s19, s4  }
0x90: {  	[tilespmem:s4+$0x11000] =	vst v11  }
0x91: {  	v11 =	vld [tilespmem:s21+$0x3000]  }
0x92: {  	v12 =	vld [tilespmem:s21+$0x3080];
	_ =	sdelay $0x1  }
0x93: {  	v13 =	vld [tilespmem:s21+$0x3100];
	_ =	sdelay $0x1  }
0x94: {  	v14 =	vld [tilespmem:s21+$0x3180]  }
0x95: {  	v11 =	vmul.f32 v11, v3;
	v12 =	vmul.f32 v12, v4  }
0x96: {  	v15 =	vld [tilespmem:s21+$0x3200]  }
0x97: {  	v11 =	vadd.f32 v12, v11;
	v12 =	vmul.f32 v13, v5  }
0x98: {  	v13 =	vld [tilespmem:s21+$0x3280]  }
0x99: {  	v11 =	vadd.f32 v12, v11;
	v12 =	vmul.f32 v14, v6  }
0x9a: {  	v14 =	vld [tilespmem:s21+$0x3300]  }
0x9b: {  	v11 =	vadd.f32 v12, v11;
	v12 =	vmul.f32 v15, v7  }
0x9c: {  	v15 =	vld [tilespmem:s21+$0x3380]  }
0x9d: {  	v11 =	vadd.f32 v12, v11;
	v12 =	vmul.f32 v13, v8;
	_ =	sdelay $0x1  }
0x9e: {  	v11 =	vadd.f32 v12, v11;
	v12 =	vmul.f32 v14, v9;
	_ =	sdelay $0x1  }
0x9f: {  	v11 =	vadd.f32 v12, v11;
	v12 =	vmul.f32 v15, v10;
	_ =	sdelay $0x1  }
0xa0: {  	v11 =	vadd.f32 v12, v11  }
0xa1: {  	s26 =	sadd.s32 $0x11000, s4  }
0xa2: {  	[tilespmem:s26+$0x80] =	vst v11  }
0xa3: {  	v11 =	vld [tilespmem:s21+$0x5080]  }
0xa4: {  	v12 =	vld [tilespmem:s21+$0x5000];
	_ =	sdelay $0x1  }
0xa5: {  	v13 =	vld [tilespmem:s21+$0x5100];
	_ =	sdelay $0x1  }
0xa6: {  	v14 =	vld [tilespmem:s21+$0x5180]  }
0xa7: {  	v12 =	vmul.f32 v12, v3;
	v11 =	vmul.f32 v11, v4  }
0xa8: {  	v15 =	vld [tilespmem:s21+$0x5200]  }
0xa9: {  	v11 =	vadd.f32 v11, v12;
	v12 =	vmul.f32 v13, v5  }
0xaa: {  	v13 =	vld [tilespmem:s21+$0x5280]  }
0xab: {  	v11 =	vadd.f32 v12, v11;
	v12 =	vmul.f32 v14, v6  }
0xac: {  	v14 =	vld [tilespmem:s21+$0x5300]  }
0xad: {  	v11 =	vadd.f32 v12, v11;
	v12 =	vmul.f32 v15, v7  }
0xae: {  	v15 =	vld [tilespmem:s21+$0x5380]  }
0xaf: {  	v11 =	vadd.f32 v12, v11;
	v12 =	vmul.f32 v13, v8;
	_ =	sdelay $0x1  }
0xb0: {  	v11 =	vadd.f32 v12, v11;
	v12 =	vmul.f32 v14, v9;
	_ =	sdelay $0x1  }
0xb1: {  	v11 =	vadd.f32 v12, v11;
	v12 =	vmul.f32 v15, v10;
	_ =	sdelay $0x1  }
0xb2: {  	v11 =	vadd.f32 v12, v11;
	_ =	sdelay $0x1  }
0xb3: {  	[tilespmem:s26+$0x100] =	vst v11  }
0xb4: {  	s24 =	simm.s32 $0x10;
	s28 =	simm.s32 $0x80;
	v12 =	vld [tilespmem:s21+$0x7000]  }
0xb5: {  	s23 =	simm.s32 $0x1;
	s22 =	sand.u32 $0x70, s24;
	s4 =	sand.u32 $0x3FFFFC00, s28;
	v13 =	vld [tilespmem:s21+$0x7080]  }
0xb6: {  	s25 =	simm.s32 $0x2;
	s19 =	sshll.u32 s18, $0x8;
	s20 =	sor.u32 s22, s4;
	v11 =	vld [tilespmem:s21+$0x7100]  }
.LBB2_3:
0xb7: {  	p1 =	sne.s32 s25, $0x3F  }
0xb8: {  	s24 =	sadd.s32 $0x10, s24;
	v14 =	vld [tilespmem:s21+$0x7180];
	s28 =	smov.u32 s25;
	s25 =	sadd.s32 $0x1, s25  }
0xb9: {  	v15 =	vld [tilespmem:s21+$0x7200]  }
0xba: {  	s7 =	sshll.u32 s28, $0x7;
	v12 =	vmul.f32 v12, v3;
	v16 =	vld [tilespmem:s21+$0x7280]  }
0xbb: {  	s4 =	sand.u32 $0x70, s24;
	s7 =	sand.u32 $0x3FFFFC00, s7;
	v13 =	vmul.f32 v13, v4;
	v17 =	vld [tilespmem:s21+$0x7300]  }
0xbc: {  	v18 =	vld [tilespmem:s21+$0x7380];
	s21 =	smov.u32 s20;
	s20 =	sor.u32 s4, s7  }
0xbd: {  	v11 =	vmul.f32 v11, v5;
	v12 =	vadd.f32 v13, v12;
	_ =	sdelay $0x1  }
0xbe: {  	v11 =	vadd.f32 v11, v12;
	v12 =	vmul.f32 v14, v6;
	_ =	sdelay $0x1  }
0xbf: {  	v11 =	vadd.f32 v12, v11;
	v12 =	vmul.f32 v15, v7;
	_ =	sdelay $0x1  }
0xc0: {  	v11 =	vadd.f32 v12, v11;
	v12 =	vmul.f32 v16, v8;
	_ =	sdelay $0x1  }
0xc1: {  	v11 =	vadd.f32 v12, v11;
	v12 =	vmul.f32 v17, v9;
	_ =	sdelay $0x1  }
0xc2: {  	v11 =	vadd.f32 v12, v11;
	v12 =	vmul.f32 v18, v10;
	_ =	sdelay $0x1  }
0xc3: {  	v11 =	vadd.f32 v12, v11;
	_ =	sdelay $0x1  }
0xc4: {  	[tilespmem:s26+$0x180] =	vst v11  }
0xc5: {  	v11 =	vld [tilespmem:s21+$0x1000]  }
0xc6: {  	v12 =	vld [tilespmem:s21+$0x1080];
	_ =	sdelay $0x1  }
0xc7: {  	v13 =	vld [tilespmem:s21+$0x1100];
	_ =	sdelay $0x1  }
0xc8: {  	v14 =	vld [tilespmem:s21+$0x1180]  }
0xc9: {  	v11 =	vmul.f32 v11, v3;
	v12 =	vmul.f32 v12, v4  }
0xca: {  	v15 =	vld [tilespmem:s21+$0x1200]  }
0xcb: {  	v11 =	vadd.f32 v12, v11;
	v12 =	vmul.f32 v13, v5  }
0xcc: {  	v13 =	vld [tilespmem:s21+$0x1280]  }
0xcd: {  	v11 =	vadd.f32 v12, v11;
	v12 =	vmul.f32 v14, v6  }
0xce: {  	v14 =	vld [tilespmem:s21+$0x1300]  }
0xcf: {  	v11 =	vadd.f32 v12, v11;
	v12 =	vmul.f32 v15, v7  }
0xd0: {  	v15 =	vld [tilespmem:s21+$0x1380]  }
0xd1: {  	v11 =	vadd.f32 v12, v11;
	v12 =	vmul.f32 v13, v8;
	_ =	sdelay $0x1  }
0xd2: {  	v11 =	vadd.f32 v12, v11;
	v12 =	vmul.f32 v14, v9;
	_ =	sdelay $0x1  }
0xd3: {  	v11 =	vadd.f32 v12, v11;
	v12 =	vmul.f32 v15, v10  }
0xd4: {  	s7 =	sshll.u32 s23, $0x6;
	s23 =	smov.u32 s28  }
0xd5: {  	s7 =	sand.u32 $0x3FFFFE00, s7;
	v11 =	vadd.f32 v12, v11  }
0xd6: {  	s7 =	sor.u32 s22, s7;
	s22 =	smov.u32 s4  }
0xd7: {  	[tilespmem:s7+$0x11000] =	vst v11  }
0xd8: {  	v11 =	vld [tilespmem:s21+$0x3000]  }
0xd9: {  	v12 =	vld [tilespmem:s21+$0x3080];
	_ =	sdelay $0x1  }
0xda: {  	v13 =	vld [tilespmem:s21+$0x3100];
	_ =	sdelay $0x1  }
0xdb: {  	v11 =	vmul.f32 v11, v3;
	v14 =	vld [tilespmem:s21+$0x3180]  }
0xdc: {  	v12 =	vmul.f32 v12, v4  }
0xdd: {  	v15 =	vld [tilespmem:s21+$0x3200]  }
0xde: {  	v11 =	vadd.f32 v12, v11;
	v12 =	vmul.f32 v13, v5  }
0xdf: {  	v13 =	vld [tilespmem:s21+$0x3280]  }
0xe0: {  	v11 =	vadd.f32 v12, v11;
	v12 =	vmul.f32 v14, v6  }
0xe1: {  	v14 =	vld [tilespmem:s21+$0x3300]  }
0xe2: {  	v11 =	vadd.f32 v12, v11;
	v12 =	vmul.f32 v15, v7  }
0xe3: {  	v15 =	vld [tilespmem:s21+$0x3380]  }
0xe4: {  	v11 =	vadd.f32 v12, v11;
	v12 =	vmul.f32 v13, v8;
	_ =	sdelay $0x1  }
0xe5: {  	v11 =	vadd.f32 v12, v11;
	v12 =	vmul.f32 v14, v9;
	_ =	sdelay $0x1  }
0xe6: {  	v11 =	vadd.f32 v12, v11;
	v12 =	vmul.f32 v15, v10;
	_ =	sdelay $0x1  }
0xe7: {  	v11 =	vadd.f32 v12, v11  }
0xe8: {  	s26 =	sadd.s32 $0x11000, s7  }
0xe9: {  	[tilespmem:s26+$0x80] =	vst v11  }
0xea: {  	v11 =	vld [tilespmem:s21+$0x5080]  }
0xeb: {  	v12 =	vld [tilespmem:s21+$0x5000]  }
0xec: {  	v13 =	vld [tilespmem:s21+$0x5100]  }
0xed: {  	v14 =	vld [tilespmem:s21+$0x5180]  }
0xee: {  	v15 =	vld [tilespmem:s21+$0x5200]  }
0xef: {  	v16 =	vld [tilespmem:s21+$0x5280]  }
0xf0: {  	v11 =	vmul.f32 v11, v4;
	v12 =	vmul.f32 v12, v3;
	v17 =	vld [tilespmem:s21+$0x5300]  }
0xf1: {  	v18 =	vld [tilespmem:s21+$0x5380]  }
0xf2: {  	v11 =	vadd.f32 v11, v12;
	v12 =	vmul.f32 v13, v5;
	_ =	sdelay $0x1  }
0xf3: {  	v11 =	vadd.f32 v12, v11;
	v12 =	vmul.f32 v14, v6;
	_ =	sdelay $0x1  }
0xf4: {  	v11 =	vadd.f32 v12, v11;
	v12 =	vmul.f32 v15, v7;
	_ =	sdelay $0x1  }
0xf5: {  	v11 =	vadd.f32 v12, v11;
	v12 =	vmul.f32 v16, v8;
	_ =	sdelay $0x1  }
0xf6: {  	v11 =	vadd.f32 v12, v11;
	v12 =	vmul.f32 v17, v9;
	_ =	sdelay $0x1  }
0xf7: {  	v11 =	vadd.f32 v12, v11;
	v12 =	vmul.f32 v18, v10;
	_ =	sdelay $0x1  }
0xf8: {  	v11 =	vadd.f32 v12, v11  }
.Ltmp0:
0xf9: {  	(pc) =	sbr.rel @p1 .LBB2_3-.Ltmp0, $4  }
0xfa: {  	[tilespmem:s26+$0x100] =	vst v11  }
0xfb: {  	v12 =	vld [tilespmem:s21+$0x7000]  }
0xfc: {  	v13 =	vld [tilespmem:s21+$0x7080]  }
0xfd: {  	v11 =	vld [tilespmem:s21+$0x7100]  }
0xfe: {  	_ =	sdelay $0x1  }
0xff: {  	v14 =	vld [tilespmem:s21+$0x7180]  }
0x100: {  	v12 =	vmul.f32 v12, v3;
	v13 =	vmul.f32 v13, v4  }
0x101: {  	v15 =	vld [tilespmem:s21+$0x7200]  }
0x102: {  	v11 =	vmul.f32 v11, v5;
	v12 =	vadd.f32 v13, v12  }
0x103: {  	v13 =	vld [tilespmem:s21+$0x7280]  }
0x104: {  	v11 =	vadd.f32 v11, v12;
	v12 =	vmul.f32 v14, v6  }
0x105: {  	v14 =	vld [tilespmem:s21+$0x7300]  }
0x106: {  	v11 =	vadd.f32 v12, v11;
	v12 =	vmul.f32 v15, v7  }
0x107: {  	v15 =	vld [tilespmem:s21+$0x7380]  }
0x108: {  	v11 =	vadd.f32 v12, v11;
	v12 =	vmul.f32 v13, v8;
	_ =	sdelay $0x1  }
0x109: {  	v11 =	vadd.f32 v12, v11;
	v12 =	vmul.f32 v14, v9;
	_ =	sdelay $0x1  }
0x10a: {  	v11 =	vadd.f32 v12, v11;
	v12 =	vmul.f32 v15, v10;
	_ =	sdelay $0x1  }
0x10b: {  	v11 =	vadd.f32 v12, v11;
	_ =	sdelay $0x1  }
0x10c: {  	[tilespmem:s26+$0x180] =	vst v11  }
0x10d: {  	v11 =	vld [tilespmem:s20+$0x1000]  }
0x10e: {  	v12 =	vld [tilespmem:s20+$0x1080];
	_ =	sdelay $0x1  }
0x10f: {  	v13 =	vld [tilespmem:s20+$0x1100];
	_ =	sdelay $0x1  }
0x110: {  	v14 =	vld [tilespmem:s20+$0x1180]  }
0x111: {  	v11 =	vmul.f32 v11, v3;
	v12 =	vmul.f32 v12, v4  }
0x112: {  	v15 =	vld [tilespmem:s20+$0x1200]  }
0x113: {  	v11 =	vadd.f32 v12, v11;
	v12 =	vmul.f32 v13, v5  }
0x114: {  	v13 =	vld [tilespmem:s20+$0x1280]  }
0x115: {  	v11 =	vadd.f32 v12, v11;
	v12 =	vmul.f32 v14, v6  }
0x116: {  	v14 =	vld [tilespmem:s20+$0x1300]  }
0x117: {  	v11 =	vadd.f32 v12, v11;
	v12 =	vmul.f32 v15, v7  }
0x118: {  	v15 =	vld [tilespmem:s20+$0x1380]  }
0x119: {  	v11 =	vadd.f32 v12, v11;
	v12 =	vmul.f32 v13, v8;
	_ =	sdelay $0x1  }
0x11a: {  	v11 =	vadd.f32 v12, v11;
	v12 =	vmul.f32 v14, v9;
	_ =	sdelay $0x1  }
0x11b: {  	v11 =	vadd.f32 v12, v11;
	v12 =	vmul.f32 v15, v10  }
0x11c: {  	s4 =	sshll.u32 s23, $0x6  }
0x11d: {  	s4 =	sand.u32 $0x3FFFFE00, s4;
	v11 =	vadd.f32 v12, v11  }
0x11e: {  	s4 =	sor.u32 s22, s4  }
0x11f: {  	[tilespmem:s4+$0x11000] =	vst v11  }
0x120: {  	v11 =	vld [tilespmem:s20+$0x3000]  }
0x121: {  	v12 =	vld [tilespmem:s20+$0x3080];
	_ =	sdelay $0x1  }
0x122: {  	v13 =	vld [tilespmem:s20+$0x3100];
	_ =	sdelay $0x1  }
0x123: {  	v14 =	vld [tilespmem:s20+$0x3180]  }
0x124: {  	v11 =	vmul.f32 v11, v3;
	v12 =	vmul.f32 v12, v4  }
0x125: {  	v15 =	vld [tilespmem:s20+$0x3200]  }
0x126: {  	v11 =	vadd.f32 v12, v11;
	v12 =	vmul.f32 v13, v5  }
0x127: {  	v13 =	vld [tilespmem:s20+$0x3280]  }
0x128: {  	v11 =	vadd.f32 v12, v11;
	v12 =	vmul.f32 v14, v6  }
0x129: {  	v14 =	vld [tilespmem:s20+$0x3300]  }
0x12a: {  	v11 =	vadd.f32 v12, v11;
	v12 =	vmul.f32 v15, v7  }
0x12b: {  	v15 =	vld [tilespmem:s20+$0x3380]  }
0x12c: {  	v11 =	vadd.f32 v12, v11;
	v12 =	vmul.f32 v13, v8;
	_ =	sdelay $0x1  }
0x12d: {  	v11 =	vadd.f32 v12, v11;
	v12 =	vmul.f32 v14, v9;
	_ =	sdelay $0x1  }
0x12e: {  	v11 =	vadd.f32 v12, v11;
	v12 =	vmul.f32 v15, v10;
	_ =	sdelay $0x1  }
0x12f: {  	v11 =	vadd.f32 v12, v11  }
0x130: {  	s4 =	sadd.s32 $0x11000, s4  }
0x131: {  	[tilespmem:s4+$0x80] =	vst v11  }
0x132: {  	v11 =	vld [tilespmem:s20+$0x5080]  }
0x133: {  	v12 =	vld [tilespmem:s20+$0x5000];
	_ =	sdelay $0x1  }
0x134: {  	v13 =	vld [tilespmem:s20+$0x5100];
	_ =	sdelay $0x1  }
0x135: {  	v14 =	vld [tilespmem:s20+$0x5180]  }
0x136: {  	v12 =	vmul.f32 v12, v3;
	v11 =	vmul.f32 v11, v4  }
0x137: {  	v15 =	vld [tilespmem:s20+$0x5200]  }
0x138: {  	v11 =	vadd.f32 v11, v12;
	v12 =	vmul.f32 v13, v5  }
0x139: {  	v13 =	vld [tilespmem:s20+$0x5280]  }
0x13a: {  	v11 =	vadd.f32 v12, v11;
	v12 =	vmul.f32 v14, v6  }
0x13b: {  	v14 =	vld [tilespmem:s20+$0x5300]  }
0x13c: {  	v11 =	vadd.f32 v12, v11;
	v12 =	vmul.f32 v15, v7  }
0x13d: {  	v15 =	vld [tilespmem:s20+$0x5380]  }
0x13e: {  	v11 =	vadd.f32 v12, v11;
	v12 =	vmul.f32 v13, v8;
	_ =	sdelay $0x1  }
0x13f: {  	v11 =	vadd.f32 v12, v11;
	v12 =	vmul.f32 v14, v9;
	_ =	sdelay $0x1  }
0x140: {  	v11 =	vadd.f32 v12, v11;
	v12 =	vmul.f32 v15, v10;
	_ =	sdelay $0x1  }
0x141: {  	v11 =	vadd.f32 v12, v11;
	_ =	sdelay $0x1  }
0x142: {  	[tilespmem:s4+$0x100] =	vst v11  }
0x143: {  	v11 =	vld [tilespmem:s20+$0x7000]  }
0x144: {  	v12 =	vld [tilespmem:s20+$0x7080];
	_ =	sdelay $0x1  }
0x145: {  	v13 =	vld [tilespmem:s20+$0x7100];
	_ =	sdelay $0x1  }
0x146: {  	v14 =	vld [tilespmem:s20+$0x7180]  }
0x147: {  	v11 =	vmul.f32 v11, v3;
	v12 =	vmul.f32 v12, v4  }
0x148: {  	v15 =	vld [tilespmem:s20+$0x7200]  }
0x149: {  	v11 =	vadd.f32 v12, v11;
	v12 =	vmul.f32 v13, v5  }
0x14a: {  	v13 =	vld [tilespmem:s20+$0x7280]  }
0x14b: {  	v11 =	vadd.f32 v12, v11;
	v12 =	vmul.f32 v14, v6  }
0x14c: {  	v14 =	vld [tilespmem:s20+$0x7300]  }
0x14d: {  	v11 =	vadd.f32 v12, v11;
	v12 =	vmul.f32 v15, v7  }
0x14e: {  	v15 =	vld [tilespmem:s20+$0x7380]  }
0x14f: {  	v11 =	vadd.f32 v12, v11;
	v12 =	vmul.f32 v13, v8;
	_ =	sdelay $0x1  }
0x150: {  	v11 =	vadd.f32 v12, v11;
	v12 =	vmul.f32 v14, v9;
	_ =	sdelay $0x1  }
0x151: {  	v11 =	vadd.f32 v12, v11;
	v12 =	vmul.f32 v15, v10;
	_ =	sdelay $0x1  }
0x152: {  	v11 =	vadd.f32 v12, v11  }
0x153: {  	p1 =	seq.s32 s18, $0x3F  }
0x154: {  	s19 =	sshrl.u32 @!p1 s19, $0x2;
	[tilespmem:s4+$0x180] =	vst v11  }
0x155: {  	v11 =	vld @!p1 [tilespmem:s19+$0x40];
	_ =	sdelay $0x4  }
0x156: {  	v12 =	vshll.u32 @!p1 v11, $0x3  }
0x157: {  	v13 =	vlaneseq.u32 @!p1;
	v11 =	vand.u32 @!p1 $0x7, v11;
	v12 =	vand.u32 @!p1 $0xFFFFFFC0, v12  }
0x158: {  	v14 =	vshrl.u32 @!p1 v13, $0x3;
	v11 =	vor.u32 @!p1 v11, v12;
	v12 =	vand.u32 @!p1 $0x7, v13  }
0x159: {  	v14 =	vmul.u32 @!p1 $0x8, v14;
	v15 =	vperm.xlane @!p1 v11, v12;
	_ =	sdelay $0x1  }
0x15a: {  	v15 =	vadd.s32 @!p1 v14, v15;
	_ =	sdelay $0x3  }
0x15b: {  	vm1 =	vmmov @!p1 $0xffff;
	s7 =	simm.s32 @!p1 $0x1000;
	s4 =	simm.s32 @!p1 $0x0  }
0x15c: {  	v13 =	vor.u32 @!p1 $0x8, v13;
	[tilespmem:s7], [sflag:$0x1] =	stream.indirect_vreg.gather @!p1 [hbm4b:s1+s4], $0x80, v15, vm1, $0xb8;
	[tilespmem:$0x13400] =	vst v63  }
0x15d: {  	v11 =	vperm.xlane @!p1 v11, v13;
	s7 =	simm.s32 @!p1 $0x1800  }
0x15e: {  	[tilespmem:s7], [sflag:$0x1] =	stream.indirect_vreg.gather @!p1 [hbm4b:s8+s4], $0x80, v15, vm1, $0xb8;
	[tilespmem:$0x13400] =	vst v63  }
0x15f: {  	v11 =	vadd.s32 @!p1 v14, v11;
	s7 =	simm.s32 @!p1 $0x2000  }
0x160: {  	[tilespmem:s7], [sflag:$0x1] =	stream.indirect_vreg.gather @!p1 [hbm4b:s9+s4], $0x80, v15, vm1, $0xb8;
	[tilespmem:$0x13400] =	vst v63  }
0x161: {  	s7 =	simm.s32 @!p1 $0x2800  }
0x162: {  	[tilespmem:s7], [sflag:$0x1] =	stream.indirect_vreg.gather @!p1 [hbm4b:s10+s4], $0x80, v15, vm1, $0xb8;
	[tilespmem:$0x13400] =	vst v63  }
0x163: {  	s7 =	simm.s32 @!p1 $0x3000  }
0x164: {  	[tilespmem:s7], [sflag:$0x1] =	stream.indirect_vreg.gather @!p1 [hbm4b:s1+s4], $0x80, v11, vm1, $0xb8;
	[tilespmem:$0x13400] =	vst v63  }
0x165: {  	s7 =	simm.s32 @!p1 $0x3800  }
0x166: {  	[tilespmem:s7], [sflag:$0x1] =	stream.indirect_vreg.gather @!p1 [hbm4b:s8+s4], $0x80, v11, vm1, $0xb8;
	[tilespmem:$0x13400] =	vst v63  }
0x167: {  	s7 =	simm.s32 @!p1 $0x4000  }
0x168: {  	[tilespmem:s7], [sflag:$0x1] =	stream.indirect_vreg.gather @!p1 [hbm4b:s9+s4], $0x80, v11, vm1, $0xb8;
	[tilespmem:$0x13400] =	vst v63  }
0x169: {  	s7 =	simm.s32 @!p1 $0x4800  }
0x16a: {  	[tilespmem:s7], [sflag:$0x1] =	stream.indirect_vreg.gather @!p1 [hbm4b:s10+s4], $0x80, v11, vm1, $0xb8;
	[tilespmem:$0x13400] =	vst v63  }
0x16b: {  	v11 =	vld @!p1 [tilespmem:s19+$0x50];
	_ =	sdelay $0x4  }
0x16c: {  	v15 =	vshll.u32 @!p1 v11, $0x3  }
0x16d: {  	v11 =	vand.u32 @!p1 $0x7, v11;
	v15 =	vand.u32 @!p1 $0xFFFFFFC0, v15  }
0x16e: {  	v11 =	vor.u32 @!p1 v11, v15  }
0x16f: {  	v12 =	vperm.xlane @!p1 v11, v12;
	_ =	sdelay $0x1  }
0x170: {  	v12 =	vadd.s32 @!p1 v14, v12;
	_ =	sdelay $0x3  }
0x171: {  	s7 =	simm.s32 @!p1 $0x5000  }
0x172: {  	[tilespmem:s7], [sflag:$0x1] =	stream.indirect_vreg.gather @!p1 [hbm4b:s1+s4], $0x80, v12, vm1, $0xb8;
	[tilespmem:$0x13400] =	vst v63  }
0x173: {  	v11 =	vperm.xlane @!p1 v11, v13;
	s7 =	simm.s32 @!p1 $0x5800  }
0x174: {  	[tilespmem:s7], [sflag:$0x1] =	stream.indirect_vreg.gather @!p1 [hbm4b:s8+s4], $0x80, v12, vm1, $0xb8;
	[tilespmem:$0x13400] =	vst v63  }
0x175: {  	v11 =	vadd.s32 @!p1 v14, v11;
	s7 =	simm.s32 @!p1 $0x6000  }
0x176: {  	[tilespmem:s7], [sflag:$0x1] =	stream.indirect_vreg.gather @!p1 [hbm4b:s9+s4], $0x80, v12, vm1, $0xb8;
	[tilespmem:$0x13400] =	vst v63  }
0x177: {  	s7 =	simm.s32 @!p1 $0x6800  }
0x178: {  	[tilespmem:s7], [sflag:$0x1] =	stream.indirect_vreg.gather @!p1 [hbm4b:s10+s4], $0x80, v12, vm1, $0xb8;
	[tilespmem:$0x13400] =	vst v63  }
0x179: {  	s7 =	simm.s32 @!p1 $0x7000  }
0x17a: {  	[tilespmem:s7], [sflag:$0x1] =	stream.indirect_vreg.gather @!p1 [hbm4b:s1+s4], $0x80, v11, vm1, $0xb8;
	[tilespmem:$0x13400] =	vst v63  }
0x17b: {  	s7 =	simm.s32 @!p1 $0x7800  }
0x17c: {  	[tilespmem:s7], [sflag:$0x1] =	stream.indirect_vreg.gather @!p1 [hbm4b:s8+s4], $0x80, v11, vm1, $0xb8;
	[tilespmem:$0x13400] =	vst v63  }
0x17d: {  	s23 =	sshll.u32 s18, $0xA;
	s7 =	simm.s32 @!p1 $0x8000  }
0x17e: {  	[tilespmem:s7], [sflag:$0x1] =	stream.indirect_vreg.gather @!p1 [hbm4b:s9+s4], $0x80, v11, vm1, $0xb8;
	[tilespmem:$0x13400] =	vst v63  }
0x17f: {  	s20 =	sadd.s32 s6, s23;
	s7 =	simm.s32 @!p1 $0x8800  }
0x180: {  	[tilespmem:s7], [sflag:$0x1] =	stream.indirect_vreg.gather @!p1 [hbm4b:s10+s4], $0x80, v11, vm1, $0xb8;
	[tilespmem:$0x13400] =	vst v63  }
0x181: {  	s4 =	sadd.s32 s5, s20  }
0x182: {  	[hbm4b:s4+s30] =	stream.strided.scatter [tilespmem:s0], [sflag:$0x3], $0x1000, s31, s30, $0x38;
	[tilespmem:$0x13400] =	vst v63  }
0x183: {  	_ =	swait.ge [sflag:s2], $0x8000  }
0x184: {  	[sflag:s2] =	ssyncset.done $0x0  }
0x185: {  	s4 =	simm.s32 @!p0 $0x4;
	[sflag:s2] =	ssyncadd.s32 $0xFFFF8000  }
0x186: {  	s24 =	simm.s32 $0x0;
	s21 =	simm.s32 $0x0;
	_ =	swait.ge @!p0 [sflag:s4], $0x1000  }
0x187: {  	s25 =	sand.u32 $0x70, s21;
	s7 =	sand.u32 $0x3FFFFC00, s24;
	[sflag:s4] =	ssyncset.done @!p0 $0x0  }
0x188: {  	s26 =	sor.u32 s25, s7;
	[sflag:s4] =	ssyncadd.s32 @!p0 $0xFFFFF000  }
0x189: {  	v11 =	vld [tilespmem:s26+$0x9000]  }
0x18a: {  	v12 =	vld [tilespmem:s26+$0x9080];
	_ =	sdelay $0x1  }
0x18b: {  	v13 =	vld [tilespmem:s26+$0x9100];
	_ =	sdelay $0x1  }
0x18c: {  	v14 =	vld [tilespmem:s26+$0x9180]  }
0x18d: {  	v11 =	vmul.f32 v11, v3;
	v12 =	vmul.f32 v12, v4  }
0x18e: {  	v15 =	vld [tilespmem:s26+$0x9200]  }
0x18f: {  	v11 =	vadd.f32 v12, v11;
	v12 =	vmul.f32 v13, v5  }
0x190: {  	v13 =	vld [tilespmem:s26+$0x9280]  }
0x191: {  	v11 =	vadd.f32 v12, v11;
	v12 =	vmul.f32 v14, v6  }
0x192: {  	v14 =	vld [tilespmem:s26+$0x9300]  }
0x193: {  	v11 =	vadd.f32 v12, v11;
	v12 =	vmul.f32 v15, v7  }
0x194: {  	v15 =	vld [tilespmem:s26+$0x9380]  }
0x195: {  	v11 =	vadd.f32 v12, v11;
	v12 =	vmul.f32 v13, v8;
	_ =	sdelay $0x1  }
0x196: {  	v11 =	vadd.f32 v12, v11;
	v12 =	vmul.f32 v14, v9;
	_ =	sdelay $0x1  }
0x197: {  	v11 =	vadd.f32 v12, v11;
	v12 =	vmul.f32 v15, v10  }
0x198: {  	s28 =	simm.s32 $0x0  }
0x199: {  	s4 =	sand.u32 $0x3FFFFE00, s28;
	v11 =	vadd.f32 v12, v11  }
0x19a: {  	s22 =	sor.u32 s25, s4  }
0x19b: {  	[tilespmem:s22+$0x12000] =	vst v11  }
0x19c: {  	v11 =	vld [tilespmem:s26+$0xB000]  }
0x19d: {  	v12 =	vld [tilespmem:s26+$0xB080];
	_ =	sdelay $0x1  }
0x19e: {  	v13 =	vld [tilespmem:s26+$0xB100];
	_ =	sdelay $0x1  }
0x19f: {  	v14 =	vld [tilespmem:s26+$0xB180]  }
0x1a0: {  	v11 =	vmul.f32 v11, v3;
	v12 =	vmul.f32 v12, v4  }
0x1a1: {  	v15 =	vld [tilespmem:s26+$0xB200]  }
0x1a2: {  	v11 =	vadd.f32 v12, v11;
	v12 =	vmul.f32 v13, v5  }
0x1a3: {  	v13 =	vld [tilespmem:s26+$0xB280]  }
0x1a4: {  	v11 =	vadd.f32 v12, v11;
	v12 =	vmul.f32 v14, v6  }
0x1a5: {  	v14 =	vld [tilespmem:s26+$0xB300]  }
0x1a6: {  	v11 =	vadd.f32 v12, v11;
	v12 =	vmul.f32 v15, v7  }
0x1a7: {  	v15 =	vld [tilespmem:s26+$0xB380]  }
0x1a8: {  	v11 =	vadd.f32 v12, v11;
	v12 =	vmul.f32 v13, v8;
	_ =	sdelay $0x1  }
0x1a9: {  	v11 =	vadd.f32 v12, v11;
	v12 =	vmul.f32 v14, v9;
	_ =	sdelay $0x1  }
0x1aa: {  	v11 =	vadd.f32 v12, v11;
	v12 =	vmul.f32 v15, v10;
	_ =	sdelay $0x1  }
0x1ab: {  	v11 =	vadd.f32 v12, v11;
	_ =	sdelay $0x1  }
0x1ac: {  	[tilespmem:s22+$0x12080] =	vst v11  }
0x1ad: {  	v11 =	vld [tilespmem:s26+$0xD000]  }
0x1ae: {  	v12 =	vld [tilespmem:s26+$0xD080];
	_ =	sdelay $0x1  }
0x1af: {  	v13 =	vld [tilespmem:s26+$0xD100];
	_ =	sdelay $0x1  }
0x1b0: {  	v14 =	vld [tilespmem:s26+$0xD180]  }
0x1b1: {  	v11 =	vmul.f32 v11, v3;
	v12 =	vmul.f32 v12, v4  }
0x1b2: {  	v15 =	vld [tilespmem:s26+$0xD200]  }
0x1b3: {  	v11 =	vadd.f32 v12, v11;
	v12 =	vmul.f32 v13, v5  }
0x1b4: {  	v13 =	vld [tilespmem:s26+$0xD280]  }
0x1b5: {  	v11 =	vadd.f32 v12, v11;
	v12 =	vmul.f32 v14, v6  }
0x1b6: {  	v14 =	vld [tilespmem:s26+$0xD300]  }
0x1b7: {  	v11 =	vadd.f32 v12, v11;
	v12 =	vmul.f32 v15, v7  }
0x1b8: {  	v15 =	vld [tilespmem:s26+$0xD380]  }
0x1b9: {  	v11 =	vadd.f32 v12, v11;
	v12 =	vmul.f32 v13, v8;
	_ =	sdelay $0x1  }
0x1ba: {  	v11 =	vadd.f32 v12, v11;
	v12 =	vmul.f32 v14, v9;
	_ =	sdelay $0x1  }
0x1bb: {  	v11 =	vadd.f32 v12, v11;
	v12 =	vmul.f32 v15, v10;
	_ =	sdelay $0x1  }
0x1bc: {  	v11 =	vadd.f32 v12, v11;
	_ =	sdelay $0x1  }
0x1bd: {  	[tilespmem:s22+$0x12100] =	vst v11  }
0x1be: {  	v11 =	vld [tilespmem:s26+$0xF000]  }
0x1bf: {  	v12 =	vld [tilespmem:s26+$0xF080];
	_ =	sdelay $0x1  }
0x1c0: {  	v13 =	vld [tilespmem:s26+$0xF100];
	_ =	sdelay $0x1  }
0x1c1: {  	v14 =	vld [tilespmem:s26+$0xF180]  }
0x1c2: {  	v11 =	vmul.f32 v11, v3;
	v12 =	vmul.f32 v12, v4  }
0x1c3: {  	v15 =	vld [tilespmem:s26+$0xF200]  }
0x1c4: {  	v13 =	vmul.f32 v13, v5;
	v11 =	vadd.f32 v12, v11  }
0x1c5: {  	v12 =	vld [tilespmem:s26+$0xF280]  }
0x1c6: {  	v16 =	vld [tilespmem:s26+$0xF300];
	v14 =	vmul.f32 v14, v6;
	v11 =	vadd.f32 v13, v11  }
0x1c7: {  	v13 =	vld [tilespmem:s26+$0xF380]  }
0x1c8: {  	v15 =	vmul.f32 v15, v7;
	v11 =	vadd.f32 v14, v11;
	_ =	sdelay $0x1  }
0x1c9: {  	v14 =	vmul.f32 v12, v8;
	v15 =	vadd.f32 v15, v11;
	_ =	sdelay $0x1  }
0x1ca: {  	s23 =	simm.s32 $0x1;
	v12 =	vmul.f32 v16, v9;
	v11 =	vmul.f32 v13, v10;
	v13 =	vadd.f32 v14, v15  }
.LBB2_5:
0x1cb: {  	p0 =	sne.s32 s23, $0x3F  }
0x1cc: {  	s21 =	sadd.s32 $0x10, s21;
	s4 =	smov.u32 s23;
	s23 =	sadd.s32 $0x1, s23  }
0x1cd: {  	v12 =	vadd.f32 v12, v13  }
0x1ce: {  	s7 =	sshll.u32 s4, $0x7  }
0x1cf: {  	s25 =	sand.u32 $0x70, s21;
	s7 =	sand.u32 $0x3FFFFC00, s7;
	v11 =	vadd.f32 v11, v12  }
0x1d0: {  	s24 =	sor.u32 s25, s7  }
0x1d1: {  	[tilespmem:s22+$0x12180] =	vst v11  }
0x1d2: {  	v11 =	vld [tilespmem:s24+$0x9000]  }
0x1d3: {  	v12 =	vld [tilespmem:s24+$0x9080];
	_ =	sdelay $0x1  }
0x1d4: {  	v13 =	vld [tilespmem:s24+$0x9100];
	_ =	sdelay $0x1  }
0x1d5: {  	v14 =	vld [tilespmem:s24+$0x9180]  }
0x1d6: {  	v11 =	vmul.f32 v11, v3;
	v12 =	vmul.f32 v12, v4  }
0x1d7: {  	v15 =	vld [tilespmem:s24+$0x9200]  }
0x1d8: {  	v11 =	vadd.f32 v12, v11;
	v12 =	vmul.f32 v13, v5  }
0x1d9: {  	v13 =	vld [tilespmem:s24+$0x9280]  }
0x1da: {  	v11 =	vadd.f32 v12, v11;
	v12 =	vmul.f32 v14, v6  }
0x1db: {  	v14 =	vld [tilespmem:s24+$0x9300]  }
0x1dc: {  	v11 =	vadd.f32 v12, v11;
	v12 =	vmul.f32 v15, v7  }
0x1dd: {  	v15 =	vld [tilespmem:s24+$0x9380]  }
0x1de: {  	v11 =	vadd.f32 v12, v11;
	v12 =	vmul.f32 v13, v8;
	_ =	sdelay $0x1  }
0x1df: {  	v11 =	vadd.f32 v12, v11;
	v12 =	vmul.f32 v14, v9;
	_ =	sdelay $0x1  }
0x1e0: {  	v11 =	vadd.f32 v12, v11;
	v12 =	vmul.f32 v15, v10  }
0x1e1: {  	s4 =	sshll.u32 s4, $0x6  }
0x1e2: {  	s4 =	sand.u32 $0x3FFFFE00, s4;
	v11 =	vadd.f32 v12, v11  }
0x1e3: {  	s22 =	sor.u32 s25, s4  }
0x1e4: {  	[tilespmem:s22+$0x12000] =	vst v11  }
0x1e5: {  	v11 =	vld [tilespmem:s24+$0xB000]  }
0x1e6: {  	v12 =	vld [tilespmem:s24+$0xB080];
	_ =	sdelay $0x1  }
0x1e7: {  	v13 =	vld [tilespmem:s24+$0xB100];
	_ =	sdelay $0x1  }
0x1e8: {  	v14 =	vld [tilespmem:s24+$0xB180]  }
0x1e9: {  	v11 =	vmul.f32 v11, v3;
	v12 =	vmul.f32 v12, v4  }
0x1ea: {  	v15 =	vld [tilespmem:s24+$0xB200]  }
0x1eb: {  	v11 =	vadd.f32 v12, v11;
	v12 =	vmul.f32 v13, v5  }
0x1ec: {  	v13 =	vld [tilespmem:s24+$0xB280]  }
0x1ed: {  	v11 =	vadd.f32 v12, v11;
	v12 =	vmul.f32 v14, v6  }
0x1ee: {  	v14 =	vld [tilespmem:s24+$0xB300]  }
0x1ef: {  	v11 =	vadd.f32 v12, v11;
	v12 =	vmul.f32 v15, v7  }
0x1f0: {  	v15 =	vld [tilespmem:s24+$0xB380]  }
0x1f1: {  	v11 =	vadd.f32 v12, v11;
	v12 =	vmul.f32 v13, v8;
	_ =	sdelay $0x1  }
0x1f2: {  	v11 =	vadd.f32 v12, v11;
	v12 =	vmul.f32 v14, v9;
	_ =	sdelay $0x1  }
0x1f3: {  	v11 =	vadd.f32 v12, v11;
	v12 =	vmul.f32 v15, v10;
	_ =	sdelay $0x1  }
0x1f4: {  	v11 =	vadd.f32 v12, v11;
	_ =	sdelay $0x1  }
0x1f5: {  	[tilespmem:s22+$0x12080] =	vst v11  }
0x1f6: {  	v11 =	vld [tilespmem:s24+$0xD000]  }
0x1f7: {  	v12 =	vld [tilespmem:s24+$0xD080]  }
0x1f8: {  	v13 =	vld [tilespmem:s24+$0xD100]  }
0x1f9: {  	v14 =	vld [tilespmem:s24+$0xD180]  }
0x1fa: {  	v15 =	vld [tilespmem:s24+$0xD200]  }
0x1fb: {  	v16 =	vld [tilespmem:s24+$0xD280]  }
0x1fc: {  	v11 =	vmul.f32 v11, v3;
	v12 =	vmul.f32 v12, v4;
	v17 =	vld [tilespmem:s24+$0xD300]  }
0x1fd: {  	v18 =	vld [tilespmem:s24+$0xD380]  }
0x1fe: {  	v11 =	vadd.f32 v12, v11;
	v12 =	vmul.f32 v13, v5;
	_ =	sdelay $0x1  }
0x1ff: {  	v11 =	vadd.f32 v12, v11;
	v12 =	vmul.f32 v14, v6;
	_ =	sdelay $0x1  }
0x200: {  	v11 =	vadd.f32 v12, v11;
	v12 =	vmul.f32 v15, v7;
	_ =	sdelay $0x1  }
0x201: {  	v11 =	vadd.f32 v12, v11;
	v12 =	vmul.f32 v16, v8;
	_ =	sdelay $0x1  }
0x202: {  	v11 =	vadd.f32 v12, v11;
	v12 =	vmul.f32 v17, v9;
	_ =	sdelay $0x1  }
0x203: {  	v11 =	vadd.f32 v12, v11;
	v12 =	vmul.f32 v18, v10;
	_ =	sdelay $0x1  }
0x204: {  	v11 =	vadd.f32 v12, v11;
	_ =	sdelay $0x1  }
0x205: {  	[tilespmem:s22+$0x12100] =	vst v11  }
0x206: {  	v11 =	vld [tilespmem:s24+$0xF000]  }
0x207: {  	v12 =	vld [tilespmem:s24+$0xF080]  }
0x208: {  	v13 =	vld [tilespmem:s24+$0xF100]  }
0x209: {  	v14 =	vld [tilespmem:s24+$0xF180]  }
0x20a: {  	v15 =	vld [tilespmem:s24+$0xF200]  }
0x20b: {  	v11 =	vmul.f32 v11, v3;
	v16 =	vld [tilespmem:s24+$0xF280]  }
0x20c: {  	v12 =	vmul.f32 v12, v4;
	v17 =	vld [tilespmem:s24+$0xF300]  }
0x20d: {  	v13 =	vmul.f32 v13, v5;
	v18 =	vld [tilespmem:s24+$0xF380]  }
0x20e: {  	v11 =	vadd.f32 v12, v11  }
0x20f: {  	v12 =	vmul.f32 v14, v6  }
0x210: {  	v11 =	vadd.f32 v13, v11  }
0x211: {  	v13 =	vmul.f32 v15, v7  }
.Ltmp1:
0x212: {  	v12 =	vadd.f32 v12, v11;
	v11 =	vmul.f32 v18, v10;
	(pc) =	sbr.rel @p0 .LBB2_5-.Ltmp1, $4  }
0x213: {  	v14 =	vmul.f32 v16, v8  }
0x214: {  	v13 =	vadd.f32 v13, v12  }
0x215: {  	v12 =	vmul.f32 v17, v9  }
0x216: {  	v13 =	vadd.f32 v14, v13  }
0x217: {  	_ = 	snop  }
0x218: {  	v12 =	vadd.f32 v12, v13;
	_ =	sdelay $0x1  }
0x219: {  	v11 =	vadd.f32 v11, v12;
	_ =	sdelay $0x1  }
0x21a: {  	[tilespmem:s22+$0x12180] =	vst v11  }
0x21b: {  	v11 =	vld @!p1 [tilespmem:s19+$0x60];
	_ =	sdelay $0x4  }
0x21c: {  	v12 =	vshll.u32 @!p1 v11, $0x3  }
0x21d: {  	v13 =	vlaneseq.u32 @!p1;
	v11 =	vand.u32 @!p1 $0x7, v11;
	v12 =	vand.u32 @!p1 $0xFFFFFFC0, v12  }
0x21e: {  	v14 =	vshrl.u32 @!p1 v13, $0x3;
	v11 =	vor.u32 @!p1 v11, v12;
	v12 =	vand.u32 @!p1 $0x7, v13  }
0x21f: {  	v14 =	vmul.u32 @!p1 $0x8, v14;
	v15 =	vperm.xlane @!p1 v11, v12;
	_ =	sdelay $0x1  }
0x220: {  	v15 =	vadd.s32 @!p1 v14, v15;
	_ =	sdelay $0x3  }
0x221: {  	s4 =	simm.s32 @!p1 $0x0;
	s7 =	simm.s32 @!p1 $0x9000  }
0x222: {  	v13 =	vor.u32 @!p1 $0x8, v13;
	[tilespmem:s7], [sflag:$0x2] =	stream.indirect_vreg.gather @!p1 [hbm4b:s1+s4], $0x80, v15, vm1, $0xb8;
	[tilespmem:$0x13400] =	vst v63  }
0x223: {  	v11 =	vperm.xlane @!p1 v11, v13;
	s7 =	simm.s32 @!p1 $0x9800  }
0x224: {  	[tilespmem:s7], [sflag:$0x2] =	stream.indirect_vreg.gather @!p1 [hbm4b:s8+s4], $0x80, v15, vm1, $0xb8;
	[tilespmem:$0x13400] =	vst v63  }
0x225: {  	v11 =	vadd.s32 @!p1 v14, v11;
	s7 =	simm.s32 @!p1 $0xA000  }
0x226: {  	[tilespmem:s7], [sflag:$0x2] =	stream.indirect_vreg.gather @!p1 [hbm4b:s9+s4], $0x80, v15, vm1, $0xb8;
	[tilespmem:$0x13400] =	vst v63  }
0x227: {  	s7 =	simm.s32 @!p1 $0xA800  }
0x228: {  	[tilespmem:s7], [sflag:$0x2] =	stream.indirect_vreg.gather @!p1 [hbm4b:s10+s4], $0x80, v15, vm1, $0xb8;
	[tilespmem:$0x13400] =	vst v63  }
0x229: {  	s7 =	simm.s32 @!p1 $0xB000  }
0x22a: {  	[tilespmem:s7], [sflag:$0x2] =	stream.indirect_vreg.gather @!p1 [hbm4b:s1+s4], $0x80, v11, vm1, $0xb8;
	[tilespmem:$0x13400] =	vst v63  }
0x22b: {  	s7 =	simm.s32 @!p1 $0xB800  }
0x22c: {  	[tilespmem:s7], [sflag:$0x2] =	stream.indirect_vreg.gather @!p1 [hbm4b:s8+s4], $0x80, v11, vm1, $0xb8;
	[tilespmem:$0x13400] =	vst v63  }
0x22d: {  	s7 =	simm.s32 @!p1 $0xC000  }
0x22e: {  	[tilespmem:s7], [sflag:$0x2] =	stream.indirect_vreg.gather @!p1 [hbm4b:s9+s4], $0x80, v11, vm1, $0xb8;
	[tilespmem:$0x13400] =	vst v63  }
0x22f: {  	s7 =	simm.s32 @!p1 $0xC800  }
0x230: {  	[tilespmem:s7], [sflag:$0x2] =	stream.indirect_vreg.gather @!p1 [hbm4b:s10+s4], $0x80, v11, vm1, $0xb8;
	[tilespmem:$0x13400] =	vst v63  }
0x231: {  	v11 =	vld @!p1 [tilespmem:s19+$0x70];
	_ =	sdelay $0x4  }
0x232: {  	v15 =	vshll.u32 @!p1 v11, $0x3  }
0x233: {  	v11 =	vand.u32 @!p1 $0x7, v11;
	v15 =	vand.u32 @!p1 $0xFFFFFFC0, v15  }
0x234: {  	v11 =	vor.u32 @!p1 v11, v15  }
0x235: {  	v12 =	vperm.xlane @!p1 v11, v12;
	_ =	sdelay $0x1  }
0x236: {  	v12 =	vadd.s32 @!p1 v14, v12;
	_ =	sdelay $0x3  }
0x237: {  	s7 =	simm.s32 @!p1 $0xD000  }
0x238: {  	[tilespmem:s7], [sflag:$0x2] =	stream.indirect_vreg.gather @!p1 [hbm4b:s1+s4], $0x80, v12, vm1, $0xb8;
	[tilespmem:$0x13400] =	vst v63  }
0x239: {  	v11 =	vperm.xlane @!p1 v11, v13;
	s7 =	simm.s32 @!p1 $0xD800  }
0x23a: {  	[tilespmem:s7], [sflag:$0x2] =	stream.indirect_vreg.gather @!p1 [hbm4b:s8+s4], $0x80, v12, vm1, $0xb8;
	[tilespmem:$0x13400] =	vst v63  }
0x23b: {  	v11 =	vadd.s32 @!p1 v14, v11;
	s7 =	simm.s32 @!p1 $0xE000  }
0x23c: {  	[tilespmem:s7], [sflag:$0x2] =	stream.indirect_vreg.gather @!p1 [hbm4b:s9+s4], $0x80, v12, vm1, $0xb8;
	[tilespmem:$0x13400] =	vst v63  }
0x23d: {  	s7 =	simm.s32 @!p1 $0xE800  }
0x23e: {  	[tilespmem:s7], [sflag:$0x2] =	stream.indirect_vreg.gather @!p1 [hbm4b:s10+s4], $0x80, v12, vm1, $0xb8;
	[tilespmem:$0x13400] =	vst v63  }
0x23f: {  	s7 =	simm.s32 @!p1 $0xF000  }
0x240: {  	[tilespmem:s7], [sflag:$0x2] =	stream.indirect_vreg.gather @!p1 [hbm4b:s1+s4], $0x80, v11, vm1, $0xb8;
	[tilespmem:$0x13400] =	vst v63  }
0x241: {  	s18 =	sadd.s32 $0x1, s18;
	s7 =	simm.s32 @!p1 $0xF800  }
0x242: {  	[tilespmem:s7], [sflag:$0x2] =	stream.indirect_vreg.gather @!p1 [hbm4b:s8+s4], $0x80, v11, vm1, $0xb8;
	[tilespmem:$0x13400] =	vst v63  }
0x243: {  	p0 =	sne.s32 s18, $0x40;
	s7 =	simm.s32 @!p1 $0x10000  }
0x244: {  	[tilespmem:s7], [sflag:$0x2] =	stream.indirect_vreg.gather @!p1 [hbm4b:s9+s4], $0x80, v11, vm1, $0xb8;
	[tilespmem:$0x13400] =	vst v63  }
.Ltmp2:
0x245: {  	_ = 	snop;
	(pc) =	sbr.rel @p0 .LBB2_2-.Ltmp2, $4  }
0x246: {  	s7 =	simm.s32 @!p1 $0x10800  }
0x247: {  	[tilespmem:s7], [sflag:$0x2] =	stream.indirect_vreg.gather @!p1 [hbm4b:s10+s4], $0x80, v11, vm1, $0xb8;
	[tilespmem:$0x13400] =	vst v63  }
0x248: {  	s28 =	sadd.s32 s20, s11  }
0x249: {  	[hbm4b:s28+s30] =	stream.strided.scatter [tilespmem:s13], [sflag:$0x4], $0x1000, s31, s30, $0x38;
	[tilespmem:$0x13400] =	vst v63  }
0x24a: {  	s17 =	sadd.s32 $0x1, s17  }
0x24b: {  	_ =	swait.ge [sflag:s15], $0x1000;
	p0 =	sne.s32 s17, s12  }
.Ltmp3:
0x24c: {  	[sflag:s15] =	ssyncset.done $0x0;
	(pc) =	sbr.rel @p0 .LBB2_1-.Ltmp3, $4  }
0x24d: {  	[sflag:s15] =	ssyncadd.s32 $0xFFFFF000  }
0x24e: {  	_ =	swait.ge [sflag:s16], $0x1000  }
0x24f: {  	[sflag:s16] =	ssyncset.done $0x0  }
0x250: {  	[sflag:s16] =	ssyncadd.s32 $0xFFFFF000  }
0x251: {  	_ =	sfence.sel $0x180000  }
0x252: {  	[bflag:$0x0] =	sbarrier.arrive $0xFFFF  }
0x253: {  	_ =	strace $0x90000047  }
0x254: {  	s0 =	stileid.u32;
	[bflag:$0x2] =	sbarrier.arrive $0xFFFF  }
0x255: {  	p0 =	sne.s32 s0, $0x0;
	s0 =	rddreg [dreg:$0x3]  }
0x256: {  	s0 =	sadd.s32 @!p0 $0x100000, s0  }
0x257: {  	[sflag:s0] =	ssyncadd.tile.s32 @!p0 $0x1;
	_ =	shalt  }
.Lfunc_end2:
_tile_overlayer_lowered:
.L_overlay_start_2:
0x258: {  	(tag) =	ssettag $0x2  }
0x259: {  	s0 =	rddreg [dreg:$0x0];
	s2 =	stileid.u32  }
0x25a: {  	s1 =	rddreg [dreg:$0x1];
	p0 =	sne.s32 s2, $0x0  }
0x25b: {  	s3 =	rddreg [dreg:$0x2];
	[bflag:$0x3] =	sbarrier.arrive $0xFFFF;
	s2 =	simm.s32 @!p0 $0x1C05  }
0x25c: {  	[timem:s3], [sflag:s2] =	dma.local @!p0 [hbm:s0], s1  }
0x25d: {  	s0 =	simm.s32 @!p0 $0x5  }
0x25e: {  	_ =	swait.ge @!p0 [sflag:s0], s1  }
0x25f: {  	s1 =	ssub.s32 @!p0 $0x0, s1;
	[sflag:s0] =	ssyncset.done @!p0 $0x0  }
0x260: {  	[sflag:s0] =	ssyncadd.s32 @!p0 s1  }
0x261: {  	[bflag:$0x3] =	sbarrier.arrive $0xFFFF  }
0x262: {  	_ =	shalt  }

</sc_bundles>
